<compile_context>
chip_gen: v7x
topology: tpu7x:2x2x1
jax: 0.10.2.dev20260603
libtpu: 0.0.44.dev20260713+nightly
codegen_flags: <defaults>
</compile_context>

<pallas_src>
import functools

import jax
import jax.numpy as jnp
from jax import lax
from jax.experimental import pallas as pl
from jax.experimental.pallas import tpu as pltpu
from jax.experimental.pallas import tpu_sc as plsc



def _mtl_kernel(x_ref, wse_ref, bse_ref, wt1_ref, bt1_ref, wt2_ref, bt2_ref,
                g1w_ref, g1b_ref, g2w_ref, g2b_ref,
                t1w1_ref, t1b1_ref, t1w2_ref, t1b2_ref,
                t2w1_ref, t2b1_ref, t2w2_ref, t2b2_ref,
                o1_ref, o2_ref):
    x = x_ref[0]
    f32 = jnp.float32

    g1 = jax.nn.softmax(
        jnp.dot(x, g1w_ref[...], preferred_element_type=f32) + g1b_ref[...],
        axis=-1)
    g2 = jax.nn.softmax(
        jnp.dot(x, g2w_ref[...], preferred_element_type=f32) + g2b_ref[...],
        axis=-1)

    n_se = wse_ref.shape[0]
    n_te = wt1_ref.shape[0]
    bm = x.shape[0]
    exp = wse_ref.shape[2]
    h1 = jnp.zeros((bm, exp), f32)
    h2 = jnp.zeros((bm, exp), f32)
    for e in range(n_se):
        s = jax.nn.relu(
            jnp.dot(x, wse_ref[e], preferred_element_type=f32) + bse_ref[e])
        h1 = h1 + g1[:, e:e + 1] * s
        h2 = h2 + g2[:, e:e + 1] * s
    for e in range(n_te):
        t = jax.nn.relu(
            jnp.dot(x, wt1_ref[e], preferred_element_type=f32) + bt1_ref[e])
        h1 = h1 + g1[:, n_se + e:n_se + e + 1] * t
        t = jax.nn.relu(
            jnp.dot(x, wt2_ref[e], preferred_element_type=f32) + bt2_ref[e])
        h2 = h2 + g2[:, n_se + e:n_se + e + 1] * t

    z1 = jax.nn.relu(
        jnp.dot(h1, t1w1_ref[...], preferred_element_type=f32) + t1b1_ref[...])
    o1 = jnp.dot(z1, t1w2_ref[...], preferred_element_type=f32) + t1b2_ref[0, 0]
    z2 = jax.nn.relu(
        jnp.dot(h2, t2w1_ref[...], preferred_element_type=f32) + t2b1_ref[...])
    o2 = jnp.dot(z2, t2w2_ref[...], preferred_element_type=f32) + t2b2_ref[0, 0]
    o1_ref[...] = o1[:, 0][None, None, :]
    o2_ref[...] = o2[:, 0][None, None, :]


def _run_mtl(x, W_se, b_se, W_te1, b_te1, W_te2, b_te2,
             gate1_W, gate1_b, gate2_W, gate2_b,
             t1_W1, t1_b1, t1_W2, t1_b2, t2_W1, t2_b1, t2_W2, t2_b2):
    m, nf = x.shape
    bm = 1024
    nb = m // bm
    rep = lambda *shape: pl.BlockSpec(shape, lambda i: (0,) * len(shape))
    out = pl.pallas_call(
        _mtl_kernel,
        grid=(nb,),
        in_specs=[
            pl.BlockSpec((1, bm, nf), lambda i: (i, 0, 0)),
            rep(*W_se.shape), rep(*b_se.shape),
            rep(*W_te1.shape), rep(*b_te1.shape),
            rep(*W_te2.shape), rep(*b_te2.shape),
            rep(*gate1_W.shape), rep(1, gate1_b.shape[-1]),
            rep(*gate2_W.shape), rep(1, gate2_b.shape[-1]),
            rep(*t1_W1.shape), rep(1, t1_b1.shape[-1]),
            rep(*t1_W2.shape), rep(1, 1),
            rep(*t2_W1.shape), rep(1, t2_b1.shape[-1]),
            rep(*t2_W2.shape), rep(1, 1),
        ],
        out_specs=[pl.BlockSpec((1, 1, bm), lambda i: (i, 0, 0)),
                   pl.BlockSpec((1, 1, bm), lambda i: (i, 0, 0))],
        out_shape=[jax.ShapeDtypeStruct((nb, 1, bm), jnp.float32),
                   jax.ShapeDtypeStruct((nb, 1, bm), jnp.float32)],
    )(x.reshape(nb, bm, nf), W_se, b_se, W_te1, b_te1, W_te2, b_te2,
      gate1_W, gate1_b.reshape(1, -1), gate2_W, gate2_b.reshape(1, -1),
      t1_W1, t1_b1.reshape(1, -1), t1_W2, t1_b2.reshape(1, 1),
      t2_W1, t2_b1.reshape(1, -1), t2_W2, t2_b2.reshape(1, 1))
    return out[0].reshape(m), out[1].reshape(m)



def _loss_kernel(o1_ref, o2_ref, loss_ref):
    o1 = o1_ref[0]
    o2 = o2_ref[0]
    ss = o1.shape[1]
    loc = ss // 2

    def bpr(s):
        return jnp.mean(-jax.nn.log_sigmoid(s[:, 0:1] - s[:, 1:]), axis=-1)

    t1s = o1[:, :loc]
    t2s = o2[:, loc:]
    bprloss = 0.3 * bpr(t1s[:, 0:5]) + bpr(t2s[:, 0:5])

    col = lax.broadcasted_iota(jnp.int32, o1.shape, 1)
    tl = jnp.where((col >= 1) & (col < loc), 0.0, 1.0)
    t = jax.nn.softmax(tl, axis=1)
    p = jax.nn.softmax(o1, axis=1)
    l1 = -jnp.sum(t * jnp.log(p), axis=1)

    b2 = bpr(o2[:, :loc])
    loss_ref[...] = (bprloss + 0.3 * l1 + b2)[None, None, :]


def _run_loss(o1, o2):
    b, ss = o1.shape
    bb = 256
    nb = b // bb
    loss = pl.pallas_call(
        _loss_kernel,
        grid=(nb,),
        in_specs=[pl.BlockSpec((1, bb, ss), lambda i: (i, 0, 0)),
                  pl.BlockSpec((1, bb, ss), lambda i: (i, 0, 0))],
        out_specs=pl.BlockSpec((1, 1, bb), lambda i: (i, 0, 0)),
        out_shape=jax.ShapeDtypeStruct((nb, 1, bb), jnp.float32),
    )(o1.reshape(nb, bb, ss), o2.reshape(nb, bb, ss))
    return loss.reshape(b)



@functools.partial(jax.jit, static_argnames=("n_pad", "e_pad"))
def _sc_propagate(u_lo, u_hi, src2d, dst2d, zeros, *, n_pad, e_pad):
    nsub = 16
    rows_per_tile = n_pad // nsub
    idxrows_per_tile = e_pad // 128 // nsub

    mesh = plsc.VectorSubcoreMesh(core_axis_name="c", subcore_axis_name="s")

    @functools.partial(
        pl.kernel,
        out_type=[jax.ShapeDtypeStruct((n_pad, 32), jnp.float32),
                  jax.ShapeDtypeStruct((n_pad, 32), jnp.float32)],
        mesh=mesh,
        scratch_types=[
            pltpu.VMEM((8, 128), jnp.int32),
            pltpu.VMEM((8, 128), jnp.int32),
            pltpu.VMEM((2, 128, 32), jnp.float32),
            pltpu.VMEM_SHARED((n_pad, 32), jnp.float32),
            pltpu.SemaphoreType.DMA,
            pltpu.SemaphoreType.DMA,
        ],
        compiler_params=pltpu.CompilerParams(use_tc_tiling_on_sc=False),
    )
    def scatter_kernel(u_lo_hbm, u_hi_hbm, src_hbm, dst_hbm, zeros_hbm,
                       out_lo, out_hi, sidx, didx, rows, acc, gsem, ssem):
        c = lax.axis_index("c")
        s = lax.axis_index("s")
        row_lo = s * rows_per_tile

        pltpu.sync_copy(zeros_hbm.at[pl.ds(row_lo, rows_per_tile)],
                        acc.at[pl.ds(row_lo, rows_per_tile)])
        plsc.subcore_barrier()

        def run(u_hbm):
            def grp_body(gi, carry):
                idx_row = s * idxrows_per_tile + gi * 8
                pltpu.sync_copy(src_hbm.at[pl.ds(idx_row, 8)], sidx)
                pltpu.sync_copy(dst_hbm.at[pl.ds(idx_row, 8)], didx)
                cg = [pltpu.async_copy(u_hbm.at[sidx.at[0]], rows.at[0],
                                       gsem),
                      pltpu.async_copy(u_hbm.at[sidx.at[1]], rows.at[1],
                                       gsem)]
                cs = [None] * 8
                for j in range(8):
                    cg[j].wait()
                    cs[j] = pltpu.async_copy(rows.at[j % 2],
                                             acc.at[didx.at[j]], ssem,
                                             add=True)
                    if j + 2 < 8:
                        cs[j].wait()
                        cg.append(pltpu.async_copy(u_hbm.at[sidx.at[j + 2]],
                                                   rows.at[j % 2], gsem))
                cs[6].wait()
                cs[7].wait()
                return carry
            lax.fori_loop(0, idxrows_per_tile // 8, grp_body, 0)

        @pl.when(c == 0)
        def _():
            run(u_lo_hbm)

        @pl.when(c == 1)
        def _():
            run(u_hi_hbm)

        plsc.subcore_barrier()

        @pl.when(c == 0)
        def _():
            pltpu.sync_copy(acc.at[pl.ds(row_lo, rows_per_tile)],
                            out_lo.at[pl.ds(row_lo, rows_per_tile)])

        @pl.when(c == 1)
        def _():
            pltpu.sync_copy(acc.at[pl.ds(row_lo, rows_per_tile)],
                            out_hi.at[pl.ds(row_lo, rows_per_tile)])

    return scatter_kernel(u_lo, u_hi, src2d, dst2d, zeros)


@functools.partial(jax.jit, static_argnames=("n_pad", "e_pad"))
def _sc_degrees(src2d, dst2d, zeros16, *, n_pad, e_pad):
    nsub = 16
    rows_per_tile = n_pad // nsub
    idx_rows = e_pad // 128
    idxrows_per_tile = idx_rows // nsub
    n_sb = idxrows_per_tile // 8

    mesh = plsc.VectorSubcoreMesh(core_axis_name="c", subcore_axis_name="s")

    @functools.partial(
        pl.kernel,
        out_type=[jax.ShapeDtypeStruct((n_pad, 16), jnp.float32),
                  jax.ShapeDtypeStruct((n_pad, 16), jnp.float32)],
        mesh=mesh,
        scratch_types=[
            pltpu.VMEM((8, 128), jnp.int32),
            pltpu.VMEM((128, 16), jnp.float32),
            pltpu.VMEM_SHARED((n_pad, 16), jnp.float32),
            pltpu.SemaphoreType.DMA,
        ],
        compiler_params=pltpu.CompilerParams(use_tc_tiling_on_sc=False),
    )
    def deg_kernel(src_hbm, dst_hbm, zeros_hbm, out_src, out_dst,
                   idx, ones, acc, sem):
        c = lax.axis_index("c")
        s = lax.axis_index("s")
        row_lo = s * rows_per_tile

        one16 = jnp.ones((16,), jnp.float32)
        for r in range(128):
            ones[r] = one16

        pltpu.sync_copy(zeros_hbm.at[pl.ds(row_lo, rows_per_tile)],
                        acc.at[pl.ds(row_lo, rows_per_tile)])
        plsc.subcore_barrier()

        def run(idx_hbm, out):
            def sb_body(g, carry):
                idx_row = s * idxrows_per_tile + g * 8
                pltpu.sync_copy(idx_hbm.at[pl.ds(idx_row, 8)], idx)
                cps = [pltpu.async_copy(ones, acc.at[idx.at[j]], sem,
                                        add=True)
                       for j in range(8)]
                for cp in cps:
                    cp.wait()
                return carry
            lax.fori_loop(0, n_sb, sb_body, 0)
            plsc.subcore_barrier()
            pltpu.sync_copy(acc.at[pl.ds(row_lo, rows_per_tile)],
                            out.at[pl.ds(row_lo, rows_per_tile)])

        @pl.when(c == 0)
        def _():
            run(src_hbm, out_src)

        @pl.when(c == 1)
        def _():
            run(dst_hbm, out_dst)

    return deg_kernel(src2d, dst2d, zeros16)


def _lightgcn_sc(x, src, dst, n):
    e = src.shape[0]
    n_pad = ((n + 16) + 127) // 128 * 128
    e_pad = -(-e // 16384) * 16384

    pad_n = n_pad - n
    src_p = jnp.concatenate(
        [src, jnp.full((e_pad - e,), n, src.dtype)]).reshape(e_pad // 128, 128)
    dst_p = jnp.concatenate(
        [dst, jnp.full((e_pad - e,), n, dst.dtype)]).reshape(e_pad // 128, 128)
    zeros = jnp.zeros((n_pad, 32), jnp.float32)
    zeros16 = jnp.zeros((n_pad, 16), jnp.float32)

    deg_sc = _sc_degrees(src_p, dst_p, zeros16, n_pad=n_pad, e_pad=e_pad)
    deg_out = deg_sc[0][:n, 0]
    deg_in = deg_sc[1][:n, 0]
    a = lax.rsqrt(jnp.maximum(deg_out, 1.0))
    b = lax.rsqrt(jnp.maximum(deg_in, 1.0))
    g = a * b

    ax = a[:, None] * x
    u_lo = jnp.concatenate([ax[:, :32], jnp.zeros((pad_n, 32), jnp.float32)])
    u_hi = jnp.concatenate([ax[:, 32:], jnp.zeros((pad_n, 32), jnp.float32)])
    g_pad = jnp.concatenate([g, jnp.zeros((pad_n,), jnp.float32)])[:, None]

    tot_lo = jnp.zeros((n_pad, 32), jnp.float32)
    tot_hi = jnp.zeros((n_pad, 32), jnp.float32)
    for _ in range(3):
        acc_lo, acc_hi = _sc_propagate(u_lo, u_hi, src_p, dst_p, zeros,
                                       n_pad=n_pad, e_pad=e_pad)
        tot_lo = tot_lo + acc_lo
        tot_hi = tot_hi + acc_hi
        u_lo = g_pad * acc_lo
        u_hi = g_pad * acc_hi

    tot = jnp.concatenate([tot_lo[:n], tot_hi[:n]], axis=1)
    return (x + b[:, None] * tot) * 0.25



def kernel(target_user, item_sample, user_sample, ui_src, ui_dst, ui_w,
           pi_src, pi_dst, pi_w, up_src, up_dst, up_w,
           embed_W, embed_pi_W, embed_u_W,
           W_se, b_se, W_te1, b_te1, W_te2, b_te2,
           gate1_W, gate1_b, gate2_W, gate2_b,
           t1_W1, t1_b1, t1_W2, t1_b2, t2_W1, t2_b1, t2_W2, t2_b2):
    n_ui, d = embed_W.shape
    user_num = embed_u_W.shape[0]
    b, si = item_sample.shape
    sp = user_sample.shape[1]
    ss = si + sp

    init_item = _lightgcn_sc(embed_W, ui_src, ui_dst, n_ui)
    part_item = _lightgcn_sc(embed_pi_W, pi_src, pi_dst, n_ui)
    init_part = _lightgcn_sc(embed_u_W, up_src, up_dst, user_num)

    ii_u = init_item[:user_num]
    ip_u = init_part[:user_num]
    pi_u = part_item[:user_num]
    pinit_u = init_part[:user_num]
    ii_i = init_item[user_num:]
    pi_i = part_item[user_num:]

    allp = jnp.mean(jnp.concatenate([pi_u, pinit_u], axis=1), axis=0,
                    keepdims=True)
    user_emb = jnp.concatenate(
        [ii_u[target_user][:, None, :], ip_u[target_user][:, None, :]], axis=2)
    isamp = item_sample.reshape(-1)
    item_emb = jnp.concatenate(
        [ii_i[isamp].reshape(b, si, d), pi_i[isamp].reshape(b, si, d)], axis=2)
    usamp = user_sample.reshape(-1)
    usr_emb = jnp.concatenate(
        [pi_u[usamp].reshape(b, sp, d), pinit_u[usamp].reshape(b, sp, d)],
        axis=2)
    true_item = item_emb[:, 0:1, :]
    users1 = jnp.tile(user_emb, (1, si, 1))
    users2 = jnp.tile(user_emb, (1, sp, 1))
    true_is = jnp.tile(true_item, (1, sp, 1))
    allp_t = jnp.tile(allp[None, :, :], (b, si, 1))
    u_isample_p = jnp.concatenate([users1, item_emb, allp_t], axis=2)
    u_i_psample = jnp.concatenate([users2, true_is, usr_emb], axis=2)
    uip = jnp.concatenate([u_isample_p, u_i_psample], axis=1)
    x = uip.reshape(b * ss, 6 * d)

    o1f, o2f = _run_mtl(x, W_se, b_se, W_te1, b_te1, W_te2, b_te2,
                        gate1_W, gate1_b, gate2_W, gate2_b,
                        t1_W1, t1_b1, t1_W2, t1_b2,
                        t2_W1, t2_b1, t2_W2, t2_b2)
    o1 = o1f.reshape(b, ss)
    o2 = o2f.reshape(b, ss)

    loss = _run_loss(o1, o2)
    loc = ss // 2
    t1s = o1[:, :loc]
    t2s = o2[:, loc:]
    return (loss, t1s, t2s)

# --- scband reference (transcript-rebuilt; emitter-appended) ---
"""Pipeline reference for scband-mamgbr-13718125543728 (READ-ONLY COPY).

The authoritative reference and input builder live on the scoring server;
editing this copy changes nothing except your own understanding.
"""

import jax, jax.numpy as jnp
import numpy as np

USER_NUM = 10000
ITEM_NUM = 50000
N_UI = USER_NUM + ITEM_NUM
D = 64
B = 1024
SI = 10
SP = 10
SS = SI + SP
NF = 6 * D
EXP = 256
NSE = 2
NTE = 4
TH = 64
E_UI = 960000
E_UP = 160000


def _graph(key, n, e):
    k1, k2 = jax.random.split(key)
    src = jax.random.randint(k1, (e,), 0, n)
    dst = jax.random.randint(k2, (e,), 0, n)
    deg_out = jnp.zeros((n,), jnp.float32).at[src].add(1.0)
    deg_in = jnp.zeros((n,), jnp.float32).at[dst].add(1.0)
    w = 1.0 / jnp.sqrt(jnp.maximum(deg_out[src], 1.0) * jnp.maximum(deg_in[dst], 1.0))
    return src.astype(jnp.int32), dst.astype(jnp.int32), w.astype(jnp.float32)


def setup_inputs(seed: int = 0):
    key = jax.random.key(seed)
    ks = jax.random.split(key, 24)
    inp = {}
    inp['target_user'] = jax.random.randint(ks[0], (B,), 0, USER_NUM)
    inp['item_sample'] = jax.random.randint(ks[1], (B, SI), 0, ITEM_NUM)
    inp['user_sample'] = jax.random.randint(ks[2], (B, SP), 0, USER_NUM)
    inp['ui_src'], inp['ui_dst'], inp['ui_w'] = _graph(ks[3], N_UI, E_UI)
    inp['pi_src'], inp['pi_dst'], inp['pi_w'] = _graph(ks[4], N_UI, E_UI)
    inp['up_src'], inp['up_dst'], inp['up_w'] = _graph(ks[5], USER_NUM, E_UP)
    inp['embed_W'] = jax.random.normal(ks[6], (N_UI, D)) * 0.02
    inp['embed_pi_W'] = jax.random.normal(ks[7], (N_UI, D)) * 0.02
    inp['embed_u_W'] = jax.random.normal(ks[8], (USER_NUM, D)) * 0.02
    sc = 1.0 / np.sqrt(NF)
    inp['W_se'] = jax.random.normal(ks[9], (NSE, NF, EXP)) * sc
    inp['b_se'] = jnp.zeros((NSE, EXP))
    inp['W_te1'] = jax.random.normal(ks[10], (NTE, NF, EXP)) * sc
    inp['b_te1'] = jnp.zeros((NTE, EXP))
    inp['W_te2'] = jax.random.normal(ks[11], (NTE, NF, EXP)) * sc
    inp['b_te2'] = jnp.zeros((NTE, EXP))
    inp['gate1_W'] = jax.random.normal(ks[12], (NF, NSE + NTE)) * sc
    inp['gate1_b'] = jnp.zeros((NSE + NTE,))
    inp['gate2_W'] = jax.random.normal(ks[13], (NF, NSE + NTE)) * sc
    inp['gate2_b'] = jnp.zeros((NSE + NTE,))
    se2 = 1.0 / np.sqrt(EXP)
    sh = 1.0 / np.sqrt(TH)
    inp['t1_W1'] = jax.random.normal(ks[14], (EXP, TH)) * se2
    inp['t1_b1'] = jnp.zeros((TH,))
    inp['t1_W2'] = jax.random.normal(ks[15], (TH, 1)) * sh
    inp['t1_b2'] = jnp.zeros((1,))
    inp['t2_W1'] = jax.random.normal(ks[16], (EXP, TH)) * se2
    inp['t2_b1'] = jnp.zeros((TH,))
    inp['t2_W2'] = jax.random.normal(ks[17], (TH, 1)) * sh
    inp['t2_b2'] = jnp.zeros((1,))
    return inp


def _lightgcn(x, src, dst, w, n):
    out = x
    h = x
    for _ in range(3):
        h = jax.ops.segment_sum(h[src] * w[:, None], dst, num_segments=n)
        out = out + h
    return out / 4.0


def _mtl_branch(x, W_se, b_se, W_te, b_te, gW, gb, tW1, tb1, tW2, tb2):
    se = jax.nn.relu(jnp.einsum('mf,efh->emh', x, W_se) + b_se[:, None, :])
    te = jax.nn.relu(jnp.einsum('mf,efh->emh', x, W_te) + b_te[:, None, :])
    ex = jnp.concatenate([se, te], axis=0)
    g = jax.nn.softmax(x @ gW + gb, axis=-1)
    h = jnp.einsum('me,emh->mh', g, ex)
    return (jax.nn.relu(h @ tW1 + tb1) @ tW2 + tb2)[:, 0]


def _bpr(s):
    return jnp.mean(-jax.nn.log_sigmoid(s[:, 0:1] - s[:, 1:]), axis=-1)


def _listnet(true_label, pred_label):
    t = jax.nn.softmax(true_label, axis=1)
    p = jax.nn.softmax(pred_label, axis=1)
    return -jnp.sum(t * jnp.log(p), axis=1)


def reference(target_user, item_sample, user_sample, ui_src, ui_dst, ui_w, pi_src, pi_dst, pi_w, up_src, up_dst, up_w, embed_W, embed_pi_W, embed_u_W, W_se, b_se, W_te1, b_te1, W_te2, b_te2, gate1_W, gate1_b, gate2_W, gate2_b, t1_W1, t1_b1, t1_W2, t1_b2, t2_W1, t2_b1, t2_W2, t2_b2):
    init_item = _lightgcn(embed_W, ui_src, ui_dst, ui_w, N_UI)
    part_item = _lightgcn(embed_pi_W, pi_src, pi_dst, pi_w, N_UI)
    init_part = _lightgcn(embed_u_W, up_src, up_dst, up_w, USER_NUM)
    ii_u = init_item[:USER_NUM]
    ip_u = init_part[:USER_NUM]
    pi_u = part_item[:USER_NUM]
    pinit_u = init_part[:USER_NUM]
    ii_i = init_item[USER_NUM:]
    pi_i = part_item[USER_NUM:]
    allp = jnp.mean(jnp.concatenate([pi_u, pinit_u], axis=1), axis=0, keepdims=True)
    user_emb = jnp.concatenate([ii_u[target_user][:, None, :], ip_u[target_user][:, None, :]], axis=2)
    isamp = item_sample.reshape(-1)
    item_emb = jnp.concatenate([ii_i[isamp].reshape(B, SI, D), pi_i[isamp].reshape(B, SI, D)], axis=2)
    usamp = user_sample.reshape(-1)
    usr_emb = jnp.concatenate([pi_u[usamp].reshape(B, SP, D), pinit_u[usamp].reshape(B, SP, D)], axis=2)
    true_item = item_emb[:, 0:1, :]
    users1 = jnp.tile(user_emb, (1, SI, 1))
    users2 = jnp.tile(user_emb, (1, SP, 1))
    true_is = jnp.tile(true_item, (1, SP, 1))
    allp_t = jnp.tile(allp[None, :, :], (B, SI, 1))
    u_isample_p = jnp.concatenate([users1, item_emb, allp_t], axis=2)
    u_i_psample = jnp.concatenate([users2, true_is, usr_emb], axis=2)
    uip = jnp.concatenate([u_isample_p, u_i_psample], axis=1)
    x = uip.reshape(B * SS, NF)
    o1 = _mtl_branch(x, W_se, b_se, W_te1, b_te1, gate1_W, gate1_b, t1_W1, t1_b1, t1_W2, t1_b2).reshape(B, SS)
    o2 = _mtl_branch(x, W_se, b_se, W_te2, b_te2, gate2_W, gate2_b, t2_W1, t2_b1, t2_W2, t2_b2).reshape(B, SS)
    loc = SS // 2
    t1s = o1[:, :loc]
    t2s = o2[:, loc:]
    bprloss = 0.3 * _bpr(t1s[:, 0:5]) + _bpr(t2s[:, 0:5])
    tl = jnp.ones((B, SS)).at[:, 1:loc].set(0.0)
    l1 = _listnet(tl, o1)
    b2 = _bpr(o2[:, :loc])
    loss = bprloss + 0.3 * l1 + b2
    return (loss, t1s, t2s)

if __name__ == "__main__":
    import jax
    _d = setup_inputs()
    print(jax.jit(kernel)(*tuple(_d.values())))

</pallas_src>

<mosaic_0001>
#map = affine_map<(d0, d1) -> (0, 0)>
module attributes {stable_mosaic.version = 14 : i64} {
  func.func @deg_kernel(%arg0: i32, %arg1: i32, %arg2: memref<7552x128xi32, #tpu.memory_space<hbm>>, %arg3: memref<7552x128xi32, #tpu.memory_space<hbm>>, %arg4: memref<60032x16xf32, #tpu.memory_space<hbm>>, %arg5: memref<60032x16xf32, #tpu.memory_space<hbm>>, %arg6: memref<60032x16xf32, #tpu.memory_space<hbm>>, %arg7: memref<8x128xi32, #tpu.memory_space<vmem>>, %arg8: memref<128x16xf32, #tpu.memory_space<vmem>>, %arg9: memref<60032x16xf32, #tpu.memory_space<vmem_shared>>, %arg10: memref<!tpu.dma_semaphore, #tpu.memory_space<semaphore_mem>>) attributes {dimension_semantics = [#tpu.dimension_semantics<core_parallel>, #tpu.dimension_semantics<subcore_parallel>], iteration_bounds = array<i64: 2, 16>, scalar_prefetch = 0 : i64, scratch_operands = 4 : i64, tpu.core_type = #tpu.core_type<sc_vector_subcore>, window_params = [{transform_indices = #map}, {transform_indices = #map}, {transform_indices = #map}, {transform_indices = #map}, {transform_indices = #map}]} {
    %mul3A = arith.constant 3752 : i32
    %mul3A_0 = arith.muli %arg1, %mul3A : i32
    %broadcast_in_dim3A = arith.constant 1.000000e+00 : f32
    %broadcast_in_dim3A_1 = vector.broadcast %broadcast_in_dim3A : f32 to vector<16xf32>
    %swap3A = arith.constant 0 : i32
    %swap3A_2 = arith.index_cast %swap3A : i32 to index
    %swap3A_3 = arith.constant 0 : index
    %swap3A_4 = tpu.vector_load %arg8[%swap3A_2, %swap3A_3] {strides = array<i32>} : memref<128x16xf32, #tpu.memory_space<vmem>>, vector<1x16xf32>,
    %swap3A_5 = vector.shape_cast %swap3A_4 : vector<1x16xf32> to vector<16xf32>
    %swap3A_6 = vector.shape_cast %broadcast_in_dim3A_1 : vector<16xf32> to vector<1x16xf32>
    tpu.vector_store %arg8[%swap3A_2, %swap3A_3], %swap3A_6 {strides = array<i32>} : memref<128x16xf32, #tpu.memory_space<vmem>>, vector<1x16xf32>,
    %swap3A_7 = arith.constant 1 : i32
    %swap3A_8 = arith.index_cast %swap3A_7 : i32 to index
    %swap3A_9 = arith.constant 0 : index
    %swap3A_10 = tpu.vector_load %arg8[%swap3A_8, %swap3A_9] {strides = array<i32>} : memref<128x16xf32, #tpu.memory_space<vmem>>, vector<1x16xf32>,
    %swap3A_11 = vector.shape_cast %swap3A_10 : vector<1x16xf32> to vector<16xf32>
    %swap3A_12 = vector.shape_cast %broadcast_in_dim3A_1 : vector<16xf32> to vector<1x16xf32>
    tpu.vector_store %arg8[%swap3A_8, %swap3A_9], %swap3A_12 {strides = array<i32>} : memref<128x16xf32, #tpu.memory_space<vmem>>, vector<1x16xf32>,
    %swap3A_13 = arith.constant 2 : i32
    %swap3A_14 = arith.index_cast %swap3A_13 : i32 to index
    %swap3A_15 = arith.constant 0 : index
    %swap3A_16 = tpu.vector_load %arg8[%swap3A_14, %swap3A_15] {strides = array<i32>} : memref<128x16xf32, #tpu.memory_space<vmem>>, vector<1x16xf32>,
    %swap3A_17 = vector.shape_cast %swap3A_16 : vector<1x16xf32> to vector<16xf32>
    %swap3A_18 = vector.shape_cast %broadcast_in_dim3A_1 : vector<16xf32> to vector<1x16xf32>
    tpu.vector_store %arg8[%swap3A_14, %swap3A_15], %swap3A_18 {strides = array<i32>} : memref<128x16xf32, #tpu.memory_space<vmem>>, vector<1x16xf32>,
    %swap3A_19 = arith.constant 3 : i32
    %swap3A_20 = arith.index_cast %swap3A_19 : i32 to index
    %swap3A_21 = arith.constant 0 : index
    %swap3A_22 = tpu.vector_load %arg8[%swap3A_20, %swap3A_21] {strides = array<i32>} : memref<128x16xf32, #tpu.memory_space<vmem>>, vector<1x16xf32>,
    %swap3A_23 = vector.shape_cast %swap3A_22 : vector<1x16xf32> to vector<16xf32>
    %swap3A_24 = vector.shape_cast %broadcast_in_dim3A_1 : vector<16xf32> to vector<1x16xf32>
    tpu.vector_store %arg8[%swap3A_20, %swap3A_21], %swap3A_24 {strides = array<i32>} : memref<128x16xf32, #tpu.memory_space<vmem>>, vector<1x16xf32>,
    %swap3A_25 = arith.constant 4 : i32
    %swap3A_26 = arith.index_cast %swap3A_25 : i32 to index
    %swap3A_27 = arith.constant 0 : index
    %swap3A_28 = tpu.vector_load %arg8[%swap3A_26, %swap3A_27] {strides = array<i32>} : memref<128x16xf32, #tpu.memory_space<vmem>>, vector<1x16xf32>,
    %swap3A_29 = vector.shape_cast %swap3A_28 : vector<1x16xf32> to vector<16xf32>
    %swap3A_30 = vector.shape_cast %broadcast_in_dim3A_1 : vector<16xf32> to vector<1x16xf32>
    tpu.vector_store %arg8[%swap3A_26, %swap3A_27], %swap3A_30 {strides = array<i32>} : memref<128x16xf32, #tpu.memory_space<vmem>>, vector<1x16xf32>,
    %swap3A_31 = arith.constant 5 : i32
    %swap3A_32 = arith.index_cast %swap3A_31 : i32 to index
    %swap3A_33 = arith.constant 0 : index
    %swap3A_34 = tpu.vector_load %arg8[%swap3A_32, %swap3A_33] {strides = array<i32>} : memref<128x16xf32, #tpu.memory_space<vmem>>, vector<1x16xf32>,
    %swap3A_35 = vector.shape_cast %swap3A_34 : vector<1x16xf32> to vector<16xf32>
    %swap3A_36 = vector.shape_cast %broadcast_in_dim3A_1 : vector<16xf32> to vector<1x16xf32>
    tpu.vector_store %arg8[%swap3A_32, %swap3A_33], %swap3A_36 {strides = array<i32>} : memref<128x16xf32, #tpu.memory_space<vmem>>, vector<1x16xf32>,
    %swap3A_37 = arith.constant 6 : i32
    %swap3A_38 = arith.index_cast %swap3A_37 : i32 to index
    %swap3A_39 = arith.constant 0 : index
    %swap3A_40 = tpu.vector_load %arg8[%swap3A_38, %swap3A_39] {strides = array<i32>} : memref<128x16xf32, #tpu.memory_space<vmem>>, vector<1x16xf32>,
    %swap3A_41 = vector.shape_cast %swap3A_40 : vector<1x16xf32> to vector<16xf32>
    %swap3A_42 = vector.shape_cast %broadcast_in_dim3A_1 : vector<16xf32> to vector<1x16xf32>
    tpu.vector_store %arg8[%swap3A_38, %swap3A_39], %swap3A_42 {strides = array<i32>} : memref<128x16xf32, #tpu.memory_space<vmem>>, vector<1x16xf32>,
    %swap3A_43 = arith.constant 7 : i32
    %swap3A_44 = arith.index_cast %swap3A_43 : i32 to index
    %swap3A_45 = arith.constant 0 : index
    %swap3A_46 = tpu.vector_load %arg8[%swap3A_44, %swap3A_45] {strides = array<i32>} : memref<128x16xf32, #tpu.memory_space<vmem>>, vector<1x16xf32>,
    %swap3A_47 = vector.shape_cast %swap3A_46 : vector<1x16xf32> to vector<16xf32>
    %swap3A_48 = vector.shape_cast %broadcast_in_dim3A_1 : vector<16xf32> to vector<1x16xf32>
    tpu.vector_store %arg8[%swap3A_44, %swap3A_45], %swap3A_48 {strides = array<i32>} : memref<128x16xf32, #tpu.memory_space<vmem>>, vector<1x16xf32>,
    %swap3A_49 = arith.constant 8 : i32
    %swap3A_50 = arith.index_cast %swap3A_49 : i32 to index
    %swap3A_51 = arith.constant 0 : index
    %swap3A_52 = tpu.vector_load %arg8[%swap3A_50, %swap3A_51] {strides = array<i32>} : memref<128x16xf32, #tpu.memory_space<vmem>>, vector<1x16xf32>,
    %swap3A_53 = vector.shape_cast %swap3A_52 : vector<1x16xf32> to vector<16xf32>
    %swap3A_54 = vector.shape_cast %broadcast_in_dim3A_1 : vector<16xf32> to vector<1x16xf32>
    tpu.vector_store %arg8[%swap3A_50, %swap3A_51], %swap3A_54 {strides = array<i32>} : memref<128x16xf32, #tpu.memory_space<vmem>>, vector<1x16xf32>,
    %swap3A_55 = arith.constant 9 : i32
    %swap3A_56 = arith.index_cast %swap3A_55 : i32 to index
    %swap3A_57 = arith.constant 0 : index
    %swap3A_58 = tpu.vector_load %arg8[%swap3A_56, %swap3A_57] {strides = array<i32>} : memref<128x16xf32, #tpu.memory_space<vmem>>, vector<1x16xf32>,
    %swap3A_59 = vector.shape_cast %swap3A_58 : vector<1x16xf32> to vector<16xf32>
    %swap3A_60 = vector.shape_cast %broadcast_in_dim3A_1 : vector<16xf32> to vector<1x16xf32>
    tpu.vector_store %arg8[%swap3A_56, %swap3A_57], %swap3A_60 {strides = array<i32>} : memref<128x16xf32, #tpu.memory_space<vmem>>, vector<1x16xf32>,
    %swap3A_61 = arith.constant 10 : i32
    %swap3A_62 = arith.index_cast %swap3A_61 : i32 to index
    %swap3A_63 = arith.constant 0 : index
    %swap3A_64 = tpu.vector_load %arg8[%swap3A_62, %swap3A_63] {strides = array<i32>} : memref<128x16xf32, #tpu.memory_space<vmem>>, vector<1x16xf32>,
    %swap3A_65 = vector.shape_cast %swap3A_64 : vector<1x16xf32> to vector<16xf32>
    %swap3A_66 = vector.shape_cast %broadcast_in_dim3A_1 : vector<16xf32> to vector<1x16xf32>
    tpu.vector_store %arg8[%swap3A_62, %swap3A_63], %swap3A_66 {strides = array<i32>} : memref<128x16xf32, #tpu.memory_space<vmem>>, vector<1x16xf32>,
    %swap3A_67 = arith.constant 11 : i32
    %swap3A_68 = arith.index_cast %swap3A_67 : i32 to index
    %swap3A_69 = arith.constant 0 : index
    %swap3A_70 = tpu.vector_load %arg8[%swap3A_68, %swap3A_69] {strides = array<i32>} : memref<128x16xf32, #tpu.memory_space<vmem>>, vector<1x16xf32>,
    %swap3A_71 = vector.shape_cast %swap3A_70 : vector<1x16xf32> to vector<16xf32>
    %swap3A_72 = vector.shape_cast %broadcast_in_dim3A_1 : vector<16xf32> to vector<1x16xf32>
    tpu.vector_store %arg8[%swap3A_68, %swap3A_69], %swap3A_72 {strides = array<i32>} : memref<128x16xf32, #tpu.memory_space<vmem>>, vector<1x16xf32>,
    %swap3A_73 = arith.constant 12 : i32
    %swap3A_74 = arith.index_cast %swap3A_73 : i32 to index
    %swap3A_75 = arith.constant 0 : index
    %swap3A_76 = tpu.vector_load %arg8[%swap3A_74, %swap3A_75] {strides = array<i32>} : memref<128x16xf32, #tpu.memory_space<vmem>>, vector<1x16xf32>,
    %swap3A_77 = vector.shape_cast %swap3A_76 : vector<1x16xf32> to vector<16xf32>
    %swap3A_78 = vector.shape_cast %broadcast_in_dim3A_1 : vector<16xf32> to vector<1x16xf32>
    tpu.vector_store %arg8[%swap3A_74, %swap3A_75], %swap3A_78 {strides = array<i32>} : memref<128x16xf32, #tpu.memory_space<vmem>>, vector<1x16xf32>,
    %swap3A_79 = arith.constant 13 : i32
    %swap3A_80 = arith.index_cast %swap3A_79 : i32 to index
    %swap3A_81 = arith.constant 0 : index
    %swap3A_82 = tpu.vector_load %arg8[%swap3A_80, %swap3A_81] {strides = array<i32>} : memref<128x16xf32, #tpu.memory_space<vmem>>, vector<1x16xf32>,
    %swap3A_83 = vector.shape_cast %swap3A_82 : vector<1x16xf32> to vector<16xf32>
    %swap3A_84 = vector.shape_cast %broadcast_in_dim3A_1 : vector<16xf32> to vector<1x16xf32>
    tpu.vector_store %arg8[%swap3A_80, %swap3A_81], %swap3A_84 {strides = array<i32>} : memref<128x16xf32, #tpu.memory_space<vmem>>, vector<1x16xf32>,
    %swap3A_85 = arith.constant 14 : i32
    %swap3A_86 = arith.index_cast %swap3A_85 : i32 to index
    %swap3A_87 = arith.constant 0 : index
    %swap3A_88 = tpu.vector_load %arg8[%swap3A_86, %swap3A_87] {strides = array<i32>} : memref<128x16xf32, #tpu.memory_space<vmem>>, vector<1x16xf32>,
    %swap3A_89 = vector.shape_cast %swap3A_88 : vector<1x16xf32> to vector<16xf32>
    %swap3A_90 = vector.shape_cast %broadcast_in_dim3A_1 : vector<16xf32> to vector<1x16xf32>
    tpu.vector_store %arg8[%swap3A_86, %swap3A_87], %swap3A_90 {strides = array<i32>} : memref<128x16xf32, #tpu.memory_space<vmem>>, vector<1x16xf32>,
    %swap3A_91 = arith.constant 15 : i32
    %swap3A_92 = arith.index_cast %swap3A_91 : i32 to index
    %swap3A_93 = arith.constant 0 : index
    %swap3A_94 = tpu.vector_load %arg8[%swap3A_92, %swap3A_93] {strides = array<i32>} : memref<128x16xf32, #tpu.memory_space<vmem>>, vector<1x16xf32>,
    %swap3A_95 = vector.shape_cast %swap3A_94 : vector<1x16xf32> to vector<16xf32>
    %swap3A_96 = vector.shape_cast %broadcast_in_dim3A_1 : vector<16xf32> to vector<1x16xf32>
    tpu.vector_store %arg8[%swap3A_92, %swap3A_93], %swap3A_96 {strides = array<i32>} : memref<128x16xf32, #tpu.memory_space<vmem>>, vector<1x16xf32>,
    %swap3A_97 = arith.constant 16 : i32
    %swap3A_98 = arith.index_cast %swap3A_97 : i32 to index
    %swap3A_99 = arith.constant 0 : index
    %swap3A_100 = tpu.vector_load %arg8[%swap3A_98, %swap3A_99] {strides = array<i32>} : memref<128x16xf32, #tpu.memory_space<vmem>>, vector<1x16xf32>,
    %swap3A_101 = vector.shape_cast %swap3A_100 : vector<1x16xf32> to vector<16xf32>
    %swap3A_102 = vector.shape_cast %broadcast_in_dim3A_1 : vector<16xf32> to vector<1x16xf32>
    tpu.vector_store %arg8[%swap3A_98, %swap3A_99], %swap3A_102 {strides = array<i32>} : memref<128x16xf32, #tpu.memory_space<vmem>>, vector<1x16xf32>,
    %swap3A_103 = arith.constant 17 : i32
    %swap3A_104 = arith.index_cast %swap3A_103 : i32 to index
    %swap3A_105 = arith.constant 0 : index
    %swap3A_106 = tpu.vector_load %arg8[%swap3A_104, %swap3A_105] {strides = array<i32>} : memref<128x16xf32, #tpu.memory_space<vmem>>, vector<1x16xf32>,
    %swap3A_107 = vector.shape_cast %swap3A_106 : vector<1x16xf32> to vector<16xf32>
    %swap3A_108 = vector.shape_cast %broadcast_in_dim3A_1 : vector<16xf32> to vector<1x16xf32>
    tpu.vector_store %arg8[%swap3A_104, %swap3A_105], %swap3A_108 {strides = array<i32>} : memref<128x16xf32, #tpu.memory_space<vmem>>, vector<1x16xf32>,
    %swap3A_109 = arith.constant 18 : i32
    %swap3A_110 = arith.index_cast %swap3A_109 : i32 to index
    %swap3A_111 = arith.constant 0 : index
    %swap3A_112 = tpu.vector_load %arg8[%swap3A_110, %swap3A_111] {strides = array<i32>} : memref<128x16xf32, #tpu.memory_space<vmem>>, vector<1x16xf32>,
    %swap3A_113 = vector.shape_cast %swap3A_112 : vector<1x16xf32> to vector<16xf32>
    %swap3A_114 = vector.shape_cast %broadcast_in_dim3A_1 : vector<16xf32> to vector<1x16xf32>
    tpu.vector_store %arg8[%swap3A_110, %swap3A_111], %swap3A_114 {strides = array<i32>} : memref<128x16xf32, #tpu.memory_space<vmem>>, vector<1x16xf32>,
    %swap3A_115 = arith.constant 19 : i32
    %swap3A_116 = arith.index_cast %swap3A_115 : i32 to index
    %swap3A_117 = arith.constant 0 : index
    %swap3A_118 = tpu.vector_load %arg8[%swap3A_116, %swap3A_117] {strides = array<i32>} : memref<128x16xf32, #tpu.memory_space<vmem>>, vector<1x16xf32>,
    %swap3A_119 = vector.shape_cast %swap3A_118 : vector<1x16xf32> to vector<16xf32>
    %swap3A_120 = vector.shape_cast %broadcast_in_dim3A_1 : vector<16xf32> to vector<1x16xf32>
    tpu.vector_store %arg8[%swap3A_116, %swap3A_117], %swap3A_120 {strides = array<i32>} : memref<128x16xf32, #tpu.memory_space<vmem>>, vector<1x16xf32>,
    %swap3A_121 = arith.constant 20 : i32
    %swap3A_122 = arith.index_cast %swap3A_121 : i32 to index
    %swap3A_123 = arith.constant 0 : index
    %swap3A_124 = tpu.vector_load %arg8[%swap3A_122, %swap3A_123] {strides = array<i32>} : memref<128x16xf32, #tpu.memory_space<vmem>>, vector<1x16xf32>,
    %swap3A_125 = vector.shape_cast %swap3A_124 : vector<1x16xf32> to vector<16xf32>
    %swap3A_126 = vector.shape_cast %broadcast_in_dim3A_1 : vector<16xf32> to vector<1x16xf32>
    tpu.vector_store %arg8[%swap3A_122, %swap3A_123], %swap3A_126 {strides = array<i32>} : memref<128x16xf32, #tpu.memory_space<vmem>>, vector<1x16xf32>,
    %swap3A_127 = arith.constant 21 : i32
    %swap3A_128 = arith.index_cast %swap3A_127 : i32 to index
    %swap3A_129 = arith.constant 0 : index
    %swap3A_130 = tpu.vector_load %arg8[%swap3A_128, %swap3A_129] {strides = array<i32>} : memref<128x16xf32, #tpu.memory_space<vmem>>, vector<1x16xf32>,
    %swap3A_131 = vector.shape_cast %swap3A_130 : vector<1x16xf32> to vector<16xf32>
    %swap3A_132 = vector.shape_cast %broadcast_in_dim3A_1 : vector<16xf32> to vector<1x16xf32>
    tpu.vector_store %arg8[%swap3A_128, %swap3A_129], %swap3A_132 {strides = array<i32>} : memref<128x16xf32, #tpu.memory_space<vmem>>, vector<1x16xf32>,
    %swap3A_133 = arith.constant 22 : i32
    %swap3A_134 = arith.index_cast %swap3A_133 : i32 to index
    %swap3A_135 = arith.constant 0 : index
    %swap3A_136 = tpu.vector_load %arg8[%swap3A_134, %swap3A_135] {strides = array<i32>} : memref<128x16xf32, #tpu.memory_space<vmem>>, vector<1x16xf32>,
    %swap3A_137 = vector.shape_cast %swap3A_136 : vector<1x16xf32> to vector<16xf32>
    %swap3A_138 = vector.shape_cast %broadcast_in_dim3A_1 : vector<16xf32> to vector<1x16xf32>
    tpu.vector_store %arg8[%swap3A_134, %swap3A_135], %swap3A_138 {strides = array<i32>} : memref<128x16xf32, #tpu.memory_space<vmem>>, vector<1x16xf32>,
    %swap3A_139 = arith.constant 23 : i32
    %swap3A_140 = arith.index_cast %swap3A_139 : i32 to index
    %swap3A_141 = arith.constant 0 : index
    %swap3A_142 = tpu.vector_load %arg8[%swap3A_140, %swap3A_141] {strides = array<i32>} : memref<128x16xf32, #tpu.memory_space<vmem>>, vector<1x16xf32>,
    %swap3A_143 = vector.shape_cast %swap3A_142 : vector<1x16xf32> to vector<16xf32>
    %swap3A_144 = vector.shape_cast %broadcast_in_dim3A_1 : vector<16xf32> to vector<1x16xf32>
    tpu.vector_store %arg8[%swap3A_140, %swap3A_141], %swap3A_144 {strides = array<i32>} : memref<128x16xf32, #tpu.memory_space<vmem>>, vector<1x16xf32>,
    %swap3A_145 = arith.constant 24 : i32
    %swap3A_146 = arith.index_cast %swap3A_145 : i32 to index
    %swap3A_147 = arith.constant 0 : index
    %swap3A_148 = tpu.vector_load %arg8[%swap3A_146, %swap3A_147] {strides = array<i32>} : memref<128x16xf32, #tpu.memory_space<vmem>>, vector<1x16xf32>,
    %swap3A_149 = vector.shape_cast %swap3A_148 : vector<1x16xf32> to vector<16xf32>
    %swap3A_150 = vector.shape_cast %broadcast_in_dim3A_1 : vector<16xf32> to vector<1x16xf32>
    tpu.vector_store %arg8[%swap3A_146, %swap3A_147], %swap3A_150 {strides = array<i32>} : memref<128x16xf32, #tpu.memory_space<vmem>>, vector<1x16xf32>,
    %swap3A_151 = arith.constant 25 : i32
    %swap3A_152 = arith.index_cast %swap3A_151 : i32 to index
    %swap3A_153 = arith.constant 0 : index
    %swap3A_154 = tpu.vector_load %arg8[%swap3A_152, %swap3A_153] {strides = array<i32>} : memref<128x16xf32, #tpu.memory_space<vmem>>, vector<1x16xf32>,
    %swap3A_155 = vector.shape_cast %swap3A_154 : vector<1x16xf32> to vector<16xf32>
    %swap3A_156 = vector.shape_cast %broadcast_in_dim3A_1 : vector<16xf32> to vector<1x16xf32>
    tpu.vector_store %arg8[%swap3A_152, %swap3A_153], %swap3A_156 {strides = array<i32>} : memref<128x16xf32, #tpu.memory_space<vmem>>, vector<1x16xf32>,
    %swap3A_157 = arith.constant 26 : i32
    %swap3A_158 = arith.index_cast %swap3A_157 : i32 to index
    %swap3A_159 = arith.constant 0 : index
    %swap3A_160 = tpu.vector_load %arg8[%swap3A_158, %swap3A_159] {strides = array<i32>} : memref<128x16xf32, #tpu.memory_space<vmem>>, vector<1x16xf32>,
    %swap3A_161 = vector.shape_cast %swap3A_160 : vector<1x16xf32> to vector<16xf32>
    %swap3A_162 = vector.shape_cast %broadcast_in_dim3A_1 : vector<16xf32> to vector<1x16xf32>
    tpu.vector_store %arg8[%swap3A_158, %swap3A_159], %swap3A_162 {strides = array<i32>} : memref<128x16xf32, #tpu.memory_space<vmem>>, vector<1x16xf32>,
    %swap3A_163 = arith.constant 27 : i32
    %swap3A_164 = arith.index_cast %swap3A_163 : i32 to index
    %swap3A_165 = arith.constant 0 : index
    %swap3A_166 = tpu.vector_load %arg8[%swap3A_164, %swap3A_165] {strides = array<i32>} : memref<128x16xf32, #tpu.memory_space<vmem>>, vector<1x16xf32>,
    %swap3A_167 = vector.shape_cast %swap3A_166 : vector<1x16xf32> to vector<16xf32>
    %swap3A_168 = vector.shape_cast %broadcast_in_dim3A_1 : vector<16xf32> to vector<1x16xf32>
    tpu.vector_store %arg8[%swap3A_164, %swap3A_165], %swap3A_168 {strides = array<i32>} : memref<128x16xf32, #tpu.memory_space<vmem>>, vector<1x16xf32>,
    %swap3A_169 = arith.constant 28 : i32
    %swap3A_170 = arith.index_cast %swap3A_169 : i32 to index
    %swap3A_171 = arith.constant 0 : index
    %swap3A_172 = tpu.vector_load %arg8[%swap3A_170, %swap3A_171] {strides = array<i32>} : memref<128x16xf32, #tpu.memory_space<vmem>>, vector<1x16xf32>,
    %swap3A_173 = vector.shape_cast %swap3A_172 : vector<1x16xf32> to vector<16xf32>
    %swap3A_174 = vector.shape_cast %broadcast_in_dim3A_1 : vector<16xf32> to vector<1x16xf32>
    tpu.vector_store %arg8[%swap3A_170, %swap3A_171], %swap3A_174 {strides = array<i32>} : memref<128x16xf32, #tpu.memory_space<vmem>>, vector<1x16xf32>,
    %swap3A_175 = arith.constant 29 : i32
    %swap3A_176 = arith.index_cast %swap3A_175 : i32 to index
    %swap3A_177 = arith.constant 0 : index
    %swap3A_178 = tpu.vector_load %arg8[%swap3A_176, %swap3A_177] {strides = array<i32>} : memref<128x16xf32, #tpu.memory_space<vmem>>, vector<1x16xf32>,
    %swap3A_179 = vector.shape_cast %swap3A_178 : vector<1x16xf32> to vector<16xf32>
    %swap3A_180 = vector.shape_cast %broadcast_in_dim3A_1 : vector<16xf32> to vector<1x16xf32>
    tpu.vector_store %arg8[%swap3A_176, %swap3A_177], %swap3A_180 {strides = array<i32>} : memref<128x16xf32, #tpu.memory_space<vmem>>, vector<1x16xf32>,
    %swap3A_181 = arith.constant 30 : i32
    %swap3A_182 = arith.index_cast %swap3A_181 : i32 to index
    %swap3A_183 = arith.constant 0 : index
    %swap3A_184 = tpu.vector_load %arg8[%swap3A_182, %swap3A_183] {strides = array<i32>} : memref<128x16xf32, #tpu.memory_space<vmem>>, vector<1x16xf32>,
    %swap3A_185 = vector.shape_cast %swap3A_184 : vector<1x16xf32> to vector<16xf32>
    %swap3A_186 = vector.shape_cast %broadcast_in_dim3A_1 : vector<16xf32> to vector<1x16xf32>
    tpu.vector_store %arg8[%swap3A_182, %swap3A_183], %swap3A_186 {strides = array<i32>} : memref<128x16xf32, #tpu.memory_space<vmem>>, vector<1x16xf32>,
    %swap3A_187 = arith.constant 31 : i32
    %swap3A_188 = arith.index_cast %swap3A_187 : i32 to index
    %swap3A_189 = arith.constant 0 : index
    %swap3A_190 = tpu.vector_load %arg8[%swap3A_188, %swap3A_189] {strides = array<i32>} : memref<128x16xf32, #tpu.memory_space<vmem>>, vector<1x16xf32>,
    %swap3A_191 = vector.shape_cast %swap3A_190 : vector<1x16xf32> to vector<16xf32>
    %swap3A_192 = vector.shape_cast %broadcast_in_dim3A_1 : vector<16xf32> to vector<1x16xf32>
    tpu.vector_store %arg8[%swap3A_188, %swap3A_189], %swap3A_192 {strides = array<i32>} : memref<128x16xf32, #tpu.memory_space<vmem>>, vector<1x16xf32>,
    %swap3A_193 = arith.constant 32 : i32
    %swap3A_194 = arith.index_cast %swap3A_193 : i32 to index
    %swap3A_195 = arith.constant 0 : index
    %swap3A_196 = tpu.vector_load %arg8[%swap3A_194, %swap3A_195] {strides = array<i32>} : memref<128x16xf32, #tpu.memory_space<vmem>>, vector<1x16xf32>,
    %swap3A_197 = vector.shape_cast %swap3A_196 : vector<1x16xf32> to vector<16xf32>
    %swap3A_198 = vector.shape_cast %broadcast_in_dim3A_1 : vector<16xf32> to vector<1x16xf32>
    tpu.vector_store %arg8[%swap3A_194, %swap3A_195], %swap3A_198 {strides = array<i32>} : memref<128x16xf32, #tpu.memory_space<vmem>>, vector<1x16xf32>,
    %swap3A_199 = arith.constant 33 : i32
    %swap3A_200 = arith.index_cast %swap3A_199 : i32 to index
    %swap3A_201 = arith.constant 0 : index
    %swap3A_202 = tpu.vector_load %arg8[%swap3A_200, %swap3A_201] {strides = array<i32>} : memref<128x16xf32, #tpu.memory_space<vmem>>, vector<1x16xf32>,
    %swap3A_203 = vector.shape_cast %swap3A_202 : vector<1x16xf32> to vector<16xf32>
    %swap3A_204 = vector.shape_cast %broadcast_in_dim3A_1 : vector<16xf32> to vector<1x16xf32>
    tpu.vector_store %arg8[%swap3A_200, %swap3A_201], %swap3A_204 {strides = array<i32>} : memref<128x16xf32, #tpu.memory_space<vmem>>, vector<1x16xf32>,
    %swap3A_205 = arith.constant 34 : i32
    %swap3A_206 = arith.index_cast %swap3A_205 : i32 to index
    %swap3A_207 = arith.constant 0 : index
    %swap3A_208 = tpu.vector_load %arg8[%swap3A_206, %swap3A_207] {strides = array<i32>} : memref<128x16xf32, #tpu.memory_space<vmem>>, vector<1x16xf32>,
    %swap3A_209 = vector.shape_cast %swap3A_208 : vector<1x16xf32> to vector<16xf32>
    %swap3A_210 = vector.shape_cast %broadcast_in_dim3A_1 : vector<16xf32> to vector<1x16xf32>
    tpu.vector_store %arg8[%swap3A_206, %swap3A_207], %swap3A_210 {strides = array<i32>} : memref<128x16xf32, #tpu.memory_space<vmem>>, vector<1x16xf32>,
    %swap3A_211 = arith.constant 35 : i32
    %swap3A_212 = arith.index_cast %swap3A_211 : i32 to index
    %swap3A_213 = arith.constant 0 : index
    %swap3A_214 = tpu.vector_load %arg8[%swap3A_212, %swap3A_213] {strides = array<i32>} : memref<128x16xf32, #tpu.memory_space<vmem>>, vector<1x16xf32>,
    %swap3A_215 = vector.shape_cast %swap3A_214 : vector<1x16xf32> to vector<16xf32>
    %swap3A_216 = vector.shape_cast %broadcast_in_dim3A_1 : vector<16xf32> to vector<1x16xf32>
    tpu.vector_store %arg8[%swap3A_212, %swap3A_213], %swap3A_216 {strides = array<i32>} : memref<128x16xf32, #tpu.memory_space<vmem>>, vector<1x16xf32>,
    %swap3A_217 = arith.constant 36 : i32
    %swap3A_218 = arith.index_cast %swap3A_217 : i32 to index
    %swap3A_219 = arith.constant 0 : index
    %swap3A_220 = tpu.vector_load %arg8[%swap3A_218, %swap3A_219] {strides = array<i32>} : memref<128x16xf32, #tpu.memory_space<vmem>>, vector<1x16xf32>,
    %swap3A_221 = vector.shape_cast %swap3A_220 : vector<1x16xf32> to vector<16xf32>
    %swap3A_222 = vector.shape_cast %broadcast_in_dim3A_1 : vector<16xf32> to vector<1x16xf32>
    tpu.vector_store %arg8[%swap3A_218, %swap3A_219], %swap3A_222 {strides = array<i32>} : memref<128x16xf32, #tpu.memory_space<vmem>>, vector<1x16xf32>,
    %swap3A_223 = arith.constant 37 : i32
    %swap3A_224 = arith.index_cast %swap3A_223 : i32 to index
    %swap3A_225 = arith.constant 0 : index
    %swap3A_226 = tpu.vector_load %arg8[%swap3A_224, %swap3A_225] {strides = array<i32>} : memref<128x16xf32, #tpu.memory_space<vmem>>, vector<1x16xf32>,
    %swap3A_227 = vector.shape_cast %swap3A_226 : vector<1x16xf32> to vector<16xf32>
    %swap3A_228 = vector.shape_cast %broadcast_in_dim3A_1 : vector<16xf32> to vector<1x16xf32>
    tpu.vector_store %arg8[%swap3A_224, %swap3A_225], %swap3A_228 {strides = array<i32>} : memref<128x16xf32, #tpu.memory_space<vmem>>, vector<1x16xf32>,
    %swap3A_229 = arith.constant 38 : i32
    %swap3A_230 = arith.index_cast %swap3A_229 : i32 to index
    %swap3A_231 = arith.constant 0 : index
    %swap3A_232 = tpu.vector_load %arg8[%swap3A_230, %swap3A_231] {strides = array<i32>} : memref<128x16xf32, #tpu.memory_space<vmem>>, vector<1x16xf32>,
    %swap3A_233 = vector.shape_cast %swap3A_232 : vector<1x16xf32> to vector<16xf32>
    %swap3A_234 = vector.shape_cast %broadcast_in_dim3A_1 : vector<16xf32> to vector<1x16xf32>
    tpu.vector_store %arg8[%swap3A_230, %swap3A_231], %swap3A_234 {strides = array<i32>} : memref<128x16xf32, #tpu.memory_space<vmem>>, vector<1x16xf32>,
    %swap3A_235 = arith.constant 39 : i32
    %swap3A_236 = arith.index_cast %swap3A_235 : i32 to index
    %swap3A_237 = arith.constant 0 : index
    %swap3A_238 = tpu.vector_load %arg8[%swap3A_236, %swap3A_237] {strides = array<i32>} : memref<128x16xf32, #tpu.memory_space<vmem>>, vector<1x16xf32>,
    %swap3A_239 = vector.shape_cast %swap3A_238 : vector<1x16xf32> to vector<16xf32>
    %swap3A_240 = vector.shape_cast %broadcast_in_dim3A_1 : vector<16xf32> to vector<1x16xf32>
    tpu.vector_store %arg8[%swap3A_236, %swap3A_237], %swap3A_240 {strides = array<i32>} : memref<128x16xf32, #tpu.memory_space<vmem>>, vector<1x16xf32>,
    %swap3A_241 = arith.constant 40 : i32
    %swap3A_242 = arith.index_cast %swap3A_241 : i32 to index
    %swap3A_243 = arith.constant 0 : index
    %swap3A_244 = tpu.vector_load %arg8[%swap3A_242, %swap3A_243] {strides = array<i32>} : memref<128x16xf32, #tpu.memory_space<vmem>>, vector<1x16xf32>,
    %swap3A_245 = vector.shape_cast %swap3A_244 : vector<1x16xf32> to vector<16xf32>
    %swap3A_246 = vector.shape_cast %broadcast_in_dim3A_1 : vector<16xf32> to vector<1x16xf32>
    tpu.vector_store %arg8[%swap3A_242, %swap3A_243], %swap3A_246 {strides = array<i32>} : memref<128x16xf32, #tpu.memory_space<vmem>>, vector<1x16xf32>,
    %swap3A_247 = arith.constant 41 : i32
    %swap3A_248 = arith.index_cast %swap3A_247 : i32 to index
    %swap3A_249 = arith.constant 0 : index
    %swap3A_250 = tpu.vector_load %arg8[%swap3A_248, %swap3A_249] {strides = array<i32>} : memref<128x16xf32, #tpu.memory_space<vmem>>, vector<1x16xf32>,
    %swap3A_251 = vector.shape_cast %swap3A_250 : vector<1x16xf32> to vector<16xf32>
    %swap3A_252 = vector.shape_cast %broadcast_in_dim3A_1 : vector<16xf32> to vector<1x16xf32>
    tpu.vector_store %arg8[%swap3A_248, %swap3A_249], %swap3A_252 {strides = array<i32>} : memref<128x16xf32, #tpu.memory_space<vmem>>, vector<1x16xf32>,
    %swap3A_253 = arith.constant 42 : i32
    %swap3A_254 = arith.index_cast %swap3A_253 : i32 to index
    %swap3A_255 = arith.constant 0 : index
    %swap3A_256 = tpu.vector_load %arg8[%swap3A_254, %swap3A_255] {strides = array<i32>} : memref<128x16xf32, #tpu.memory_space<vmem>>, vector<1x16xf32>,
    %swap3A_257 = vector.shape_cast %swap3A_256 : vector<1x16xf32> to vector<16xf32>
    %swap3A_258 = vector.shape_cast %broadcast_in_dim3A_1 : vector<16xf32> to vector<1x16xf32>
    tpu.vector_store %arg8[%swap3A_254, %swap3A_255], %swap3A_258 {strides = array<i32>} : memref<128x16xf32, #tpu.memory_space<vmem>>, vector<1x16xf32>,
    %swap3A_259 = arith.constant 43 : i32
    %swap3A_260 = arith.index_cast %swap3A_259 : i32 to index
    %swap3A_261 = arith.constant 0 : index
    %swap3A_262 = tpu.vector_load %arg8[%swap3A_260, %swap3A_261] {strides = array<i32>} : memref<128x16xf32, #tpu.memory_space<vmem>>, vector<1x16xf32>,
    %swap3A_263 = vector.shape_cast %swap3A_262 : vector<1x16xf32> to vector<16xf32>
    %swap3A_264 = vector.shape_cast %broadcast_in_dim3A_1 : vector<16xf32> to vector<1x16xf32>
    tpu.vector_store %arg8[%swap3A_260, %swap3A_261], %swap3A_264 {strides = array<i32>} : memref<128x16xf32, #tpu.memory_space<vmem>>, vector<1x16xf32>,
    %swap3A_265 = arith.constant 44 : i32
    %swap3A_266 = arith.index_cast %swap3A_265 : i32 to index
    %swap3A_267 = arith.constant 0 : index
    %swap3A_268 = tpu.vector_load %arg8[%swap3A_266, %swap3A_267] {strides = array<i32>} : memref<128x16xf32, #tpu.memory_space<vmem>>, vector<1x16xf32>,
    %swap3A_269 = vector.shape_cast %swap3A_268 : vector<1x16xf32> to vector<16xf32>
    %swap3A_270 = vector.shape_cast %broadcast_in_dim3A_1 : vector<16xf32> to vector<1x16xf32>
    tpu.vector_store %arg8[%swap3A_266, %swap3A_267], %swap3A_270 {strides = array<i32>} : memref<128x16xf32, #tpu.memory_space<vmem>>, vector<1x16xf32>,
    %swap3A_271 = arith.constant 45 : i32
    %swap3A_272 = arith.index_cast %swap3A_271 : i32 to index
    %swap3A_273 = arith.constant 0 : index
    %swap3A_274 = tpu.vector_load %arg8[%swap3A_272, %swap3A_273] {strides = array<i32>} : memref<128x16xf32, #tpu.memory_space<vmem>>, vector<1x16xf32>,
    %swap3A_275 = vector.shape_cast %swap3A_274 : vector<1x16xf32> to vector<16xf32>
    %swap3A_276 = vector.shape_cast %broadcast_in_dim3A_1 : vector<16xf32> to vector<1x16xf32>
    tpu.vector_store %arg8[%swap3A_272, %swap3A_273], %swap3A_276 {strides = array<i32>} : memref<128x16xf32, #tpu.memory_space<vmem>>, vector<1x16xf32>,
    %swap3A_277 = arith.constant 46 : i32
    %swap3A_278 = arith.index_cast %swap3A_277 : i32 to index
    %swap3A_279 = arith.constant 0 : index
    %swap3A_280 = tpu.vector_load %arg8[%swap3A_278, %swap3A_279] {strides = array<i32>} : memref<128x16xf32, #tpu.memory_space<vmem>>, vector<1x16xf32>,
    %swap3A_281 = vector.shape_cast %swap3A_280 : vector<1x16xf32> to vector<16xf32>
    %swap3A_282 = vector.shape_cast %broadcast_in_dim3A_1 : vector<16xf32> to vector<1x16xf32>
    tpu.vector_store %arg8[%swap3A_278, %swap3A_279], %swap3A_282 {strides = array<i32>} : memref<128x16xf32, #tpu.memory_space<vmem>>, vector<1x16xf32>,
    %swap3A_283 = arith.constant 47 : i32
    %swap3A_284 = arith.index_cast %swap3A_283 : i32 to index
    %swap3A_285 = arith.constant 0 : index
    %swap3A_286 = tpu.vector_load %arg8[%swap3A_284, %swap3A_285] {strides = array<i32>} : memref<128x16xf32, #tpu.memory_space<vmem>>, vector<1x16xf32>,
    %swap3A_287 = vector.shape_cast %swap3A_286 : vector<1x16xf32> to vector<16xf32>
    %swap3A_288 = vector.shape_cast %broadcast_in_dim3A_1 : vector<16xf32> to vector<1x16xf32>
    tpu.vector_store %arg8[%swap3A_284, %swap3A_285], %swap3A_288 {strides = array<i32>} : memref<128x16xf32, #tpu.memory_space<vmem>>, vector<1x16xf32>,
    %swap3A_289 = arith.constant 48 : i32
    %swap3A_290 = arith.index_cast %swap3A_289 : i32 to index
    %swap3A_291 = arith.constant 0 : index
    %swap3A_292 = tpu.vector_load %arg8[%swap3A_290, %swap3A_291] {strides = array<i32>} : memref<128x16xf32, #tpu.memory_space<vmem>>, vector<1x16xf32>,
    %swap3A_293 = vector.shape_cast %swap3A_292 : vector<1x16xf32> to vector<16xf32>
    %swap3A_294 = vector.shape_cast %broadcast_in_dim3A_1 : vector<16xf32> to vector<1x16xf32>
    tpu.vector_store %arg8[%swap3A_290, %swap3A_291], %swap3A_294 {strides = array<i32>} : memref<128x16xf32, #tpu.memory_space<vmem>>, vector<1x16xf32>,
    %swap3A_295 = arith.constant 49 : i32
    %swap3A_296 = arith.index_cast %swap3A_295 : i32 to index
    %swap3A_297 = arith.constant 0 : index
    %swap3A_298 = tpu.vector_load %arg8[%swap3A_296, %swap3A_297] {strides = array<i32>} : memref<128x16xf32, #tpu.memory_space<vmem>>, vector<1x16xf32>,
    %swap3A_299 = vector.shape_cast %swap3A_298 : vector<1x16xf32> to vector<16xf32>
    %swap3A_300 = vector.shape_cast %broadcast_in_dim3A_1 : vector<16xf32> to vector<1x16xf32>
    tpu.vector_store %arg8[%swap3A_296, %swap3A_297], %swap3A_300 {strides = array<i32>} : memref<128x16xf32, #tpu.memory_space<vmem>>, vector<1x16xf32>,
    %swap3A_301 = arith.constant 50 : i32
    %swap3A_302 = arith.index_cast %swap3A_301 : i32 to index
    %swap3A_303 = arith.constant 0 : index
    %swap3A_304 = tpu.vector_load %arg8[%swap3A_302, %swap3A_303] {strides = array<i32>} : memref<128x16xf32, #tpu.memory_space<vmem>>, vector<1x16xf32>,
    %swap3A_305 = vector.shape_cast %swap3A_304 : vector<1x16xf32> to vector<16xf32>
    %swap3A_306 = vector.shape_cast %broadcast_in_dim3A_1 : vector<16xf32> to vector<1x16xf32>
    tpu.vector_store %arg8[%swap3A_302, %swap3A_303], %swap3A_306 {strides = array<i32>} : memref<128x16xf32, #tpu.memory_space<vmem>>, vector<1x16xf32>,
    %swap3A_307 = arith.constant 51 : i32
    %swap3A_308 = arith.index_cast %swap3A_307 : i32 to index
    %swap3A_309 = arith.constant 0 : index
    %swap3A_310 = tpu.vector_load %arg8[%swap3A_308, %swap3A_309] {strides = array<i32>} : memref<128x16xf32, #tpu.memory_space<vmem>>, vector<1x16xf32>,
    %swap3A_311 = vector.shape_cast %swap3A_310 : vector<1x16xf32> to vector<16xf32>
    %swap3A_312 = vector.shape_cast %broadcast_in_dim3A_1 : vector<16xf32> to vector<1x16xf32>
    tpu.vector_store %arg8[%swap3A_308, %swap3A_309], %swap3A_312 {strides = array<i32>} : memref<128x16xf32, #tpu.memory_space<vmem>>, vector<1x16xf32>,
    %swap3A_313 = arith.constant 52 : i32
    %swap3A_314 = arith.index_cast %swap3A_313 : i32 to index
    %swap3A_315 = arith.constant 0 : index
    %swap3A_316 = tpu.vector_load %arg8[%swap3A_314, %swap3A_315] {strides = array<i32>} : memref<128x16xf32, #tpu.memory_space<vmem>>, vector<1x16xf32>,
    %swap3A_317 = vector.shape_cast %swap3A_316 : vector<1x16xf32> to vector<16xf32>
    %swap3A_318 = vector.shape_cast %broadcast_in_dim3A_1 : vector<16xf32> to vector<1x16xf32>
    tpu.vector_store %arg8[%swap3A_314, %swap3A_315], %swap3A_318 {strides = array<i32>} : memref<128x16xf32, #tpu.memory_space<vmem>>, vector<1x16xf32>,
    %swap3A_319 = arith.constant 53 : i32
    %swap3A_320 = arith.index_cast %swap3A_319 : i32 to index
    %swap3A_321 = arith.constant 0 : index
    %swap3A_322 = tpu.vector_load %arg8[%swap3A_320, %swap3A_321] {strides = array<i32>} : memref<128x16xf32, #tpu.memory_space<vmem>>, vector<1x16xf32>,
    %swap3A_323 = vector.shape_cast %swap3A_322 : vector<1x16xf32> to vector<16xf32>
    %swap3A_324 = vector.shape_cast %broadcast_in_dim3A_1 : vector<16xf32> to vector<1x16xf32>
    tpu.vector_store %arg8[%swap3A_320, %swap3A_321], %swap3A_324 {strides = array<i32>} : memref<128x16xf32, #tpu.memory_space<vmem>>, vector<1x16xf32>,
    %swap3A_325 = arith.constant 54 : i32
    %swap3A_326 = arith.index_cast %swap3A_325 : i32 to index
    %swap3A_327 = arith.constant 0 : index
    %swap3A_328 = tpu.vector_load %arg8[%swap3A_326, %swap3A_327] {strides = array<i32>} : memref<128x16xf32, #tpu.memory_space<vmem>>, vector<1x16xf32>,
    %swap3A_329 = vector.shape_cast %swap3A_328 : vector<1x16xf32> to vector<16xf32>
    %swap3A_330 = vector.shape_cast %broadcast_in_dim3A_1 : vector<16xf32> to vector<1x16xf32>
    tpu.vector_store %arg8[%swap3A_326, %swap3A_327], %swap3A_330 {strides = array<i32>} : memref<128x16xf32, #tpu.memory_space<vmem>>, vector<1x16xf32>,
    %swap3A_331 = arith.constant 55 : i32
    %swap3A_332 = arith.index_cast %swap3A_331 : i32 to index
    %swap3A_333 = arith.constant 0 : index
    %swap3A_334 = tpu.vector_load %arg8[%swap3A_332, %swap3A_333] {strides = array<i32>} : memref<128x16xf32, #tpu.memory_space<vmem>>, vector<1x16xf32>,
    %swap3A_335 = vector.shape_cast %swap3A_334 : vector<1x16xf32> to vector<16xf32>
    %swap3A_336 = vector.shape_cast %broadcast_in_dim3A_1 : vector<16xf32> to vector<1x16xf32>
    tpu.vector_store %arg8[%swap3A_332, %swap3A_333], %swap3A_336 {strides = array<i32>} : memref<128x16xf32, #tpu.memory_space<vmem>>, vector<1x16xf32>,
    %swap3A_337 = arith.constant 56 : i32
    %swap3A_338 = arith.index_cast %swap3A_337 : i32 to index
    %swap3A_339 = arith.constant 0 : index
    %swap3A_340 = tpu.vector_load %arg8[%swap3A_338, %swap3A_339] {strides = array<i32>} : memref<128x16xf32, #tpu.memory_space<vmem>>, vector<1x16xf32>,
    %swap3A_341 = vector.shape_cast %swap3A_340 : vector<1x16xf32> to vector<16xf32>
    %swap3A_342 = vector.shape_cast %broadcast_in_dim3A_1 : vector<16xf32> to vector<1x16xf32>
    tpu.vector_store %arg8[%swap3A_338, %swap3A_339], %swap3A_342 {strides = array<i32>} : memref<128x16xf32, #tpu.memory_space<vmem>>, vector<1x16xf32>,
    %swap3A_343 = arith.constant 57 : i32
    %swap3A_344 = arith.index_cast %swap3A_343 : i32 to index
    %swap3A_345 = arith.constant 0 : index
    %swap3A_346 = tpu.vector_load %arg8[%swap3A_344, %swap3A_345] {strides = array<i32>} : memref<128x16xf32, #tpu.memory_space<vmem>>, vector<1x16xf32>,
    %swap3A_347 = vector.shape_cast %swap3A_346 : vector<1x16xf32> to vector<16xf32>
    %swap3A_348 = vector.shape_cast %broadcast_in_dim3A_1 : vector<16xf32> to vector<1x16xf32>
    tpu.vector_store %arg8[%swap3A_344, %swap3A_345], %swap3A_348 {strides = array<i32>} : memref<128x16xf32, #tpu.memory_space<vmem>>, vector<1x16xf32>,
    %swap3A_349 = arith.constant 58 : i32
    %swap3A_350 = arith.index_cast %swap3A_349 : i32 to index
    %swap3A_351 = arith.constant 0 : index
    %swap3A_352 = tpu.vector_load %arg8[%swap3A_350, %swap3A_351] {strides = array<i32>} : memref<128x16xf32, #tpu.memory_space<vmem>>, vector<1x16xf32>,
    %swap3A_353 = vector.shape_cast %swap3A_352 : vector<1x16xf32> to vector<16xf32>
    %swap3A_354 = vector.shape_cast %broadcast_in_dim3A_1 : vector<16xf32> to vector<1x16xf32>
    tpu.vector_store %arg8[%swap3A_350, %swap3A_351], %swap3A_354 {strides = array<i32>} : memref<128x16xf32, #tpu.memory_space<vmem>>, vector<1x16xf32>,
    %swap3A_355 = arith.constant 59 : i32
    %swap3A_356 = arith.index_cast %swap3A_355 : i32 to index
    %swap3A_357 = arith.constant 0 : index
    %swap3A_358 = tpu.vector_load %arg8[%swap3A_356, %swap3A_357] {strides = array<i32>} : memref<128x16xf32, #tpu.memory_space<vmem>>, vector<1x16xf32>,
    %swap3A_359 = vector.shape_cast %swap3A_358 : vector<1x16xf32> to vector<16xf32>
    %swap3A_360 = vector.shape_cast %broadcast_in_dim3A_1 : vector<16xf32> to vector<1x16xf32>
    tpu.vector_store %arg8[%swap3A_356, %swap3A_357], %swap3A_360 {strides = array<i32>} : memref<128x16xf32, #tpu.memory_space<vmem>>, vector<1x16xf32>,
    %swap3A_361 = arith.constant 60 : i32
    %swap3A_362 = arith.index_cast %swap3A_361 : i32 to index
    %swap3A_363 = arith.constant 0 : index
    %swap3A_364 = tpu.vector_load %arg8[%swap3A_362, %swap3A_363] {strides = array<i32>} : memref<128x16xf32, #tpu.memory_space<vmem>>, vector<1x16xf32>,
    %swap3A_365 = vector.shape_cast %swap3A_364 : vector<1x16xf32> to vector<16xf32>
    %swap3A_366 = vector.shape_cast %broadcast_in_dim3A_1 : vector<16xf32> to vector<1x16xf32>
    tpu.vector_store %arg8[%swap3A_362, %swap3A_363], %swap3A_366 {strides = array<i32>} : memref<128x16xf32, #tpu.memory_space<vmem>>, vector<1x16xf32>,
    %swap3A_367 = arith.constant 61 : i32
    %swap3A_368 = arith.index_cast %swap3A_367 : i32 to index
    %swap3A_369 = arith.constant 0 : index
    %swap3A_370 = tpu.vector_load %arg8[%swap3A_368, %swap3A_369] {strides = array<i32>} : memref<128x16xf32, #tpu.memory_space<vmem>>, vector<1x16xf32>,
    %swap3A_371 = vector.shape_cast %swap3A_370 : vector<1x16xf32> to vector<16xf32>
    %swap3A_372 = vector.shape_cast %broadcast_in_dim3A_1 : vector<16xf32> to vector<1x16xf32>
    tpu.vector_store %arg8[%swap3A_368, %swap3A_369], %swap3A_372 {strides = array<i32>} : memref<128x16xf32, #tpu.memory_space<vmem>>, vector<1x16xf32>,
    %swap3A_373 = arith.constant 62 : i32
    %swap3A_374 = arith.index_cast %swap3A_373 : i32 to index
    %swap3A_375 = arith.constant 0 : index
    %swap3A_376 = tpu.vector_load %arg8[%swap3A_374, %swap3A_375] {strides = array<i32>} : memref<128x16xf32, #tpu.memory_space<vmem>>, vector<1x16xf32>,
    %swap3A_377 = vector.shape_cast %swap3A_376 : vector<1x16xf32> to vector<16xf32>
    %swap3A_378 = vector.shape_cast %broadcast_in_dim3A_1 : vector<16xf32> to vector<1x16xf32>
    tpu.vector_store %arg8[%swap3A_374, %swap3A_375], %swap3A_378 {strides = array<i32>} : memref<128x16xf32, #tpu.memory_space<vmem>>, vector<1x16xf32>,
    %swap3A_379 = arith.constant 63 : i32
    %swap3A_380 = arith.index_cast %swap3A_379 : i32 to index
    %swap3A_381 = arith.constant 0 : index
    %swap3A_382 = tpu.vector_load %arg8[%swap3A_380, %swap3A_381] {strides = array<i32>} : memref<128x16xf32, #tpu.memory_space<vmem>>, vector<1x16xf32>,
    %swap3A_383 = vector.shape_cast %swap3A_382 : vector<1x16xf32> to vector<16xf32>
    %swap3A_384 = vector.shape_cast %broadcast_in_dim3A_1 : vector<16xf32> to vector<1x16xf32>
    tpu.vector_store %arg8[%swap3A_380, %swap3A_381], %swap3A_384 {strides = array<i32>} : memref<128x16xf32, #tpu.memory_space<vmem>>, vector<1x16xf32>,
    %swap3A_385 = arith.constant 64 : i32
    %swap3A_386 = arith.index_cast %swap3A_385 : i32 to index
    %swap3A_387 = arith.constant 0 : index
    %swap3A_388 = tpu.vector_load %arg8[%swap3A_386, %swap3A_387] {strides = array<i32>} : memref<128x16xf32, #tpu.memory_space<vmem>>, vector<1x16xf32>,
    %swap3A_389 = vector.shape_cast %swap3A_388 : vector<1x16xf32> to vector<16xf32>
    %swap3A_390 = vector.shape_cast %broadcast_in_dim3A_1 : vector<16xf32> to vector<1x16xf32>
    tpu.vector_store %arg8[%swap3A_386, %swap3A_387], %swap3A_390 {strides = array<i32>} : memref<128x16xf32, #tpu.memory_space<vmem>>, vector<1x16xf32>,
    %swap3A_391 = arith.constant 65 : i32
    %swap3A_392 = arith.index_cast %swap3A_391 : i32 to index
    %swap3A_393 = arith.constant 0 : index
    %swap3A_394 = tpu.vector_load %arg8[%swap3A_392, %swap3A_393] {strides = array<i32>} : memref<128x16xf32, #tpu.memory_space<vmem>>, vector<1x16xf32>,
    %swap3A_395 = vector.shape_cast %swap3A_394 : vector<1x16xf32> to vector<16xf32>
    %swap3A_396 = vector.shape_cast %broadcast_in_dim3A_1 : vector<16xf32> to vector<1x16xf32>
    tpu.vector_store %arg8[%swap3A_392, %swap3A_393], %swap3A_396 {strides = array<i32>} : memref<128x16xf32, #tpu.memory_space<vmem>>, vector<1x16xf32>,
    %swap3A_397 = arith.constant 66 : i32
    %swap3A_398 = arith.index_cast %swap3A_397 : i32 to index
    %swap3A_399 = arith.constant 0 : index
    %swap3A_400 = tpu.vector_load %arg8[%swap3A_398, %swap3A_399] {strides = array<i32>} : memref<128x16xf32, #tpu.memory_space<vmem>>, vector<1x16xf32>,
    %swap3A_401 = vector.shape_cast %swap3A_400 : vector<1x16xf32> to vector<16xf32>
    %swap3A_402 = vector.shape_cast %broadcast_in_dim3A_1 : vector<16xf32> to vector<1x16xf32>
    tpu.vector_store %arg8[%swap3A_398, %swap3A_399], %swap3A_402 {strides = array<i32>} : memref<128x16xf32, #tpu.memory_space<vmem>>, vector<1x16xf32>,
    %swap3A_403 = arith.constant 67 : i32
    %swap3A_404 = arith.index_cast %swap3A_403 : i32 to index
    %swap3A_405 = arith.constant 0 : index
    %swap3A_406 = tpu.vector_load %arg8[%swap3A_404, %swap3A_405] {strides = array<i32>} : memref<128x16xf32, #tpu.memory_space<vmem>>, vector<1x16xf32>,
    %swap3A_407 = vector.shape_cast %swap3A_406 : vector<1x16xf32> to vector<16xf32>
    %swap3A_408 = vector.shape_cast %broadcast_in_dim3A_1 : vector<16xf32> to vector<1x16xf32>
    tpu.vector_store %arg8[%swap3A_404, %swap3A_405], %swap3A_408 {strides = array<i32>} : memref<128x16xf32, #tpu.memory_space<vmem>>, vector<1x16xf32>,
    %swap3A_409 = arith.constant 68 : i32
    %swap3A_410 = arith.index_cast %swap3A_409 : i32 to index
    %swap3A_411 = arith.constant 0 : index
    %swap3A_412 = tpu.vector_load %arg8[%swap3A_410, %swap3A_411] {strides = array<i32>} : memref<128x16xf32, #tpu.memory_space<vmem>>, vector<1x16xf32>,
    %swap3A_413 = vector.shape_cast %swap3A_412 : vector<1x16xf32> to vector<16xf32>
    %swap3A_414 = vector.shape_cast %broadcast_in_dim3A_1 : vector<16xf32> to vector<1x16xf32>
    tpu.vector_store %arg8[%swap3A_410, %swap3A_411], %swap3A_414 {strides = array<i32>} : memref<128x16xf32, #tpu.memory_space<vmem>>, vector<1x16xf32>,
    %swap3A_415 = arith.constant 69 : i32
    %swap3A_416 = arith.index_cast %swap3A_415 : i32 to index
    %swap3A_417 = arith.constant 0 : index
    %swap3A_418 = tpu.vector_load %arg8[%swap3A_416, %swap3A_417] {strides = array<i32>} : memref<128x16xf32, #tpu.memory_space<vmem>>, vector<1x16xf32>,
    %swap3A_419 = vector.shape_cast %swap3A_418 : vector<1x16xf32> to vector<16xf32>
    %swap3A_420 = vector.shape_cast %broadcast_in_dim3A_1 : vector<16xf32> to vector<1x16xf32>
    tpu.vector_store %arg8[%swap3A_416, %swap3A_417], %swap3A_420 {strides = array<i32>} : memref<128x16xf32, #tpu.memory_space<vmem>>, vector<1x16xf32>,
    %swap3A_421 = arith.constant 70 : i32
    %swap3A_422 = arith.index_cast %swap3A_421 : i32 to index
    %swap3A_423 = arith.constant 0 : index
    %swap3A_424 = tpu.vector_load %arg8[%swap3A_422, %swap3A_423] {strides = array<i32>} : memref<128x16xf32, #tpu.memory_space<vmem>>, vector<1x16xf32>,
    %swap3A_425 = vector.shape_cast %swap3A_424 : vector<1x16xf32> to vector<16xf32>
    %swap3A_426 = vector.shape_cast %broadcast_in_dim3A_1 : vector<16xf32> to vector<1x16xf32>
    tpu.vector_store %arg8[%swap3A_422, %swap3A_423], %swap3A_426 {strides = array<i32>} : memref<128x16xf32, #tpu.memory_space<vmem>>, vector<1x16xf32>,
    %swap3A_427 = arith.constant 71 : i32
    %swap3A_428 = arith.index_cast %swap3A_427 : i32 to index
    %swap3A_429 = arith.constant 0 : index
    %swap3A_430 = tpu.vector_load %arg8[%swap3A_428, %swap3A_429] {strides = array<i32>} : memref<128x16xf32, #tpu.memory_space<vmem>>, vector<1x16xf32>,
    %swap3A_431 = vector.shape_cast %swap3A_430 : vector<1x16xf32> to vector<16xf32>
    %swap3A_432 = vector.shape_cast %broadcast_in_dim3A_1 : vector<16xf32> to vector<1x16xf32>
    tpu.vector_store %arg8[%swap3A_428, %swap3A_429], %swap3A_432 {strides = array<i32>} : memref<128x16xf32, #tpu.memory_space<vmem>>, vector<1x16xf32>,
    %swap3A_433 = arith.constant 72 : i32
    %swap3A_434 = arith.index_cast %swap3A_433 : i32 to index
    %swap3A_435 = arith.constant 0 : index
    %swap3A_436 = tpu.vector_load %arg8[%swap3A_434, %swap3A_435] {strides = array<i32>} : memref<128x16xf32, #tpu.memory_space<vmem>>, vector<1x16xf32>,
    %swap3A_437 = vector.shape_cast %swap3A_436 : vector<1x16xf32> to vector<16xf32>
    %swap3A_438 = vector.shape_cast %broadcast_in_dim3A_1 : vector<16xf32> to vector<1x16xf32>
    tpu.vector_store %arg8[%swap3A_434, %swap3A_435], %swap3A_438 {strides = array<i32>} : memref<128x16xf32, #tpu.memory_space<vmem>>, vector<1x16xf32>,
    %swap3A_439 = arith.constant 73 : i32
    %swap3A_440 = arith.index_cast %swap3A_439 : i32 to index
    %swap3A_441 = arith.constant 0 : index
    %swap3A_442 = tpu.vector_load %arg8[%swap3A_440, %swap3A_441] {strides = array<i32>} : memref<128x16xf32, #tpu.memory_space<vmem>>, vector<1x16xf32>,
    %swap3A_443 = vector.shape_cast %swap3A_442 : vector<1x16xf32> to vector<16xf32>
    %swap3A_444 = vector.shape_cast %broadcast_in_dim3A_1 : vector<16xf32> to vector<1x16xf32>
    tpu.vector_store %arg8[%swap3A_440, %swap3A_441], %swap3A_444 {strides = array<i32>} : memref<128x16xf32, #tpu.memory_space<vmem>>, vector<1x16xf32>,
    %swap3A_445 = arith.constant 74 : i32
    %swap3A_446 = arith.index_cast %swap3A_445 : i32 to index
    %swap3A_447 = arith.constant 0 : index
    %swap3A_448 = tpu.vector_load %arg8[%swap3A_446, %swap3A_447] {strides = array<i32>} : memref<128x16xf32, #tpu.memory_space<vmem>>, vector<1x16xf32>,
    %swap3A_449 = vector.shape_cast %swap3A_448 : vector<1x16xf32> to vector<16xf32>
    %swap3A_450 = vector.shape_cast %broadcast_in_dim3A_1 : vector<16xf32> to vector<1x16xf32>
    tpu.vector_store %arg8[%swap3A_446, %swap3A_447], %swap3A_450 {strides = array<i32>} : memref<128x16xf32, #tpu.memory_space<vmem>>, vector<1x16xf32>,
    %swap3A_451 = arith.constant 75 : i32
    %swap3A_452 = arith.index_cast %swap3A_451 : i32 to index
    %swap3A_453 = arith.constant 0 : index
    %swap3A_454 = tpu.vector_load %arg8[%swap3A_452, %swap3A_453] {strides = array<i32>} : memref<128x16xf32, #tpu.memory_space<vmem>>, vector<1x16xf32>,
    %swap3A_455 = vector.shape_cast %swap3A_454 : vector<1x16xf32> to vector<16xf32>
    %swap3A_456 = vector.shape_cast %broadcast_in_dim3A_1 : vector<16xf32> to vector<1x16xf32>
    tpu.vector_store %arg8[%swap3A_452, %swap3A_453], %swap3A_456 {strides = array<i32>} : memref<128x16xf32, #tpu.memory_space<vmem>>, vector<1x16xf32>,
    %swap3A_457 = arith.constant 76 : i32
    %swap3A_458 = arith.index_cast %swap3A_457 : i32 to index
    %swap3A_459 = arith.constant 0 : index
    %swap3A_460 = tpu.vector_load %arg8[%swap3A_458, %swap3A_459] {strides = array<i32>} : memref<128x16xf32, #tpu.memory_space<vmem>>, vector<1x16xf32>,
    %swap3A_461 = vector.shape_cast %swap3A_460 : vector<1x16xf32> to vector<16xf32>
    %swap3A_462 = vector.shape_cast %broadcast_in_dim3A_1 : vector<16xf32> to vector<1x16xf32>
    tpu.vector_store %arg8[%swap3A_458, %swap3A_459], %swap3A_462 {strides = array<i32>} : memref<128x16xf32, #tpu.memory_space<vmem>>, vector<1x16xf32>,
    %swap3A_463 = arith.constant 77 : i32
    %swap3A_464 = arith.index_cast %swap3A_463 : i32 to index
    %swap3A_465 = arith.constant 0 : index
    %swap3A_466 = tpu.vector_load %arg8[%swap3A_464, %swap3A_465] {strides = array<i32>} : memref<128x16xf32, #tpu.memory_space<vmem>>, vector<1x16xf32>,
    %swap3A_467 = vector.shape_cast %swap3A_466 : vector<1x16xf32> to vector<16xf32>
    %swap3A_468 = vector.shape_cast %broadcast_in_dim3A_1 : vector<16xf32> to vector<1x16xf32>
    tpu.vector_store %arg8[%swap3A_464, %swap3A_465], %swap3A_468 {strides = array<i32>} : memref<128x16xf32, #tpu.memory_space<vmem>>, vector<1x16xf32>,
    %swap3A_469 = arith.constant 78 : i32
    %swap3A_470 = arith.index_cast %swap3A_469 : i32 to index
    %swap3A_471 = arith.constant 0 : index
    %swap3A_472 = tpu.vector_load %arg8[%swap3A_470, %swap3A_471] {strides = array<i32>} : memref<128x16xf32, #tpu.memory_space<vmem>>, vector<1x16xf32>,
    %swap3A_473 = vector.shape_cast %swap3A_472 : vector<1x16xf32> to vector<16xf32>
    %swap3A_474 = vector.shape_cast %broadcast_in_dim3A_1 : vector<16xf32> to vector<1x16xf32>
    tpu.vector_store %arg8[%swap3A_470, %swap3A_471], %swap3A_474 {strides = array<i32>} : memref<128x16xf32, #tpu.memory_space<vmem>>, vector<1x16xf32>,
    %swap3A_475 = arith.constant 79 : i32
    %swap3A_476 = arith.index_cast %swap3A_475 : i32 to index
    %swap3A_477 = arith.constant 0 : index
    %swap3A_478 = tpu.vector_load %arg8[%swap3A_476, %swap3A_477] {strides = array<i32>} : memref<128x16xf32, #tpu.memory_space<vmem>>, vector<1x16xf32>,
    %swap3A_479 = vector.shape_cast %swap3A_478 : vector<1x16xf32> to vector<16xf32>
    %swap3A_480 = vector.shape_cast %broadcast_in_dim3A_1 : vector<16xf32> to vector<1x16xf32>
    tpu.vector_store %arg8[%swap3A_476, %swap3A_477], %swap3A_480 {strides = array<i32>} : memref<128x16xf32, #tpu.memory_space<vmem>>, vector<1x16xf32>,
    %swap3A_481 = arith.constant 80 : i32
    %swap3A_482 = arith.index_cast %swap3A_481 : i32 to index
    %swap3A_483 = arith.constant 0 : index
    %swap3A_484 = tpu.vector_load %arg8[%swap3A_482, %swap3A_483] {strides = array<i32>} : memref<128x16xf32, #tpu.memory_space<vmem>>, vector<1x16xf32>,
    %swap3A_485 = vector.shape_cast %swap3A_484 : vector<1x16xf32> to vector<16xf32>
    %swap3A_486 = vector.shape_cast %broadcast_in_dim3A_1 : vector<16xf32> to vector<1x16xf32>
    tpu.vector_store %arg8[%swap3A_482, %swap3A_483], %swap3A_486 {strides = array<i32>} : memref<128x16xf32, #tpu.memory_space<vmem>>, vector<1x16xf32>,
    %swap3A_487 = arith.constant 81 : i32
    %swap3A_488 = arith.index_cast %swap3A_487 : i32 to index
    %swap3A_489 = arith.constant 0 : index
    %swap3A_490 = tpu.vector_load %arg8[%swap3A_488, %swap3A_489] {strides = array<i32>} : memref<128x16xf32, #tpu.memory_space<vmem>>, vector<1x16xf32>,
    %swap3A_491 = vector.shape_cast %swap3A_490 : vector<1x16xf32> to vector<16xf32>
    %swap3A_492 = vector.shape_cast %broadcast_in_dim3A_1 : vector<16xf32> to vector<1x16xf32>
    tpu.vector_store %arg8[%swap3A_488, %swap3A_489], %swap3A_492 {strides = array<i32>} : memref<128x16xf32, #tpu.memory_space<vmem>>, vector<1x16xf32>,
    %swap3A_493 = arith.constant 82 : i32
    %swap3A_494 = arith.index_cast %swap3A_493 : i32 to index
    %swap3A_495 = arith.constant 0 : index
    %swap3A_496 = tpu.vector_load %arg8[%swap3A_494, %swap3A_495] {strides = array<i32>} : memref<128x16xf32, #tpu.memory_space<vmem>>, vector<1x16xf32>,
    %swap3A_497 = vector.shape_cast %swap3A_496 : vector<1x16xf32> to vector<16xf32>
    %swap3A_498 = vector.shape_cast %broadcast_in_dim3A_1 : vector<16xf32> to vector<1x16xf32>
    tpu.vector_store %arg8[%swap3A_494, %swap3A_495], %swap3A_498 {strides = array<i32>} : memref<128x16xf32, #tpu.memory_space<vmem>>, vector<1x16xf32>,
    %swap3A_499 = arith.constant 83 : i32
    %swap3A_500 = arith.index_cast %swap3A_499 : i32 to index
    %swap3A_501 = arith.constant 0 : index
    %swap3A_502 = tpu.vector_load %arg8[%swap3A_500, %swap3A_501] {strides = array<i32>} : memref<128x16xf32, #tpu.memory_space<vmem>>, vector<1x16xf32>,
    %swap3A_503 = vector.shape_cast %swap3A_502 : vector<1x16xf32> to vector<16xf32>
    %swap3A_504 = vector.shape_cast %broadcast_in_dim3A_1 : vector<16xf32> to vector<1x16xf32>
    tpu.vector_store %arg8[%swap3A_500, %swap3A_501], %swap3A_504 {strides = array<i32>} : memref<128x16xf32, #tpu.memory_space<vmem>>, vector<1x16xf32>,
    %swap3A_505 = arith.constant 84 : i32
    %swap3A_506 = arith.index_cast %swap3A_505 : i32 to index
    %swap3A_507 = arith.constant 0 : index
    %swap3A_508 = tpu.vector_load %arg8[%swap3A_506, %swap3A_507] {strides = array<i32>} : memref<128x16xf32, #tpu.memory_space<vmem>>, vector<1x16xf32>,
    %swap3A_509 = vector.shape_cast %swap3A_508 : vector<1x16xf32> to vector<16xf32>
    %swap3A_510 = vector.shape_cast %broadcast_in_dim3A_1 : vector<16xf32> to vector<1x16xf32>
    tpu.vector_store %arg8[%swap3A_506, %swap3A_507], %swap3A_510 {strides = array<i32>} : memref<128x16xf32, #tpu.memory_space<vmem>>, vector<1x16xf32>,
    %swap3A_511 = arith.constant 85 : i32
    %swap3A_512 = arith.index_cast %swap3A_511 : i32 to index
    %swap3A_513 = arith.constant 0 : index
    %swap3A_514 = tpu.vector_load %arg8[%swap3A_512, %swap3A_513] {strides = array<i32>} : memref<128x16xf32, #tpu.memory_space<vmem>>, vector<1x16xf32>,
    %swap3A_515 = vector.shape_cast %swap3A_514 : vector<1x16xf32> to vector<16xf32>
    %swap3A_516 = vector.shape_cast %broadcast_in_dim3A_1 : vector<16xf32> to vector<1x16xf32>
    tpu.vector_store %arg8[%swap3A_512, %swap3A_513], %swap3A_516 {strides = array<i32>} : memref<128x16xf32, #tpu.memory_space<vmem>>, vector<1x16xf32>,
    %swap3A_517 = arith.constant 86 : i32
    %swap3A_518 = arith.index_cast %swap3A_517 : i32 to index
    %swap3A_519 = arith.constant 0 : index
    %swap3A_520 = tpu.vector_load %arg8[%swap3A_518, %swap3A_519] {strides = array<i32>} : memref<128x16xf32, #tpu.memory_space<vmem>>, vector<1x16xf32>,
    %swap3A_521 = vector.shape_cast %swap3A_520 : vector<1x16xf32> to vector<16xf32>
    %swap3A_522 = vector.shape_cast %broadcast_in_dim3A_1 : vector<16xf32> to vector<1x16xf32>
    tpu.vector_store %arg8[%swap3A_518, %swap3A_519], %swap3A_522 {strides = array<i32>} : memref<128x16xf32, #tpu.memory_space<vmem>>, vector<1x16xf32>,
    %swap3A_523 = arith.constant 87 : i32
    %swap3A_524 = arith.index_cast %swap3A_523 : i32 to index
    %swap3A_525 = arith.constant 0 : index
    %swap3A_526 = tpu.vector_load %arg8[%swap3A_524, %swap3A_525] {strides = array<i32>} : memref<128x16xf32, #tpu.memory_space<vmem>>, vector<1x16xf32>,
    %swap3A_527 = vector.shape_cast %swap3A_526 : vector<1x16xf32> to vector<16xf32>
    %swap3A_528 = vector.shape_cast %broadcast_in_dim3A_1 : vector<16xf32> to vector<1x16xf32>
    tpu.vector_store %arg8[%swap3A_524, %swap3A_525], %swap3A_528 {strides = array<i32>} : memref<128x16xf32, #tpu.memory_space<vmem>>, vector<1x16xf32>,
    %swap3A_529 = arith.constant 88 : i32
    %swap3A_530 = arith.index_cast %swap3A_529 : i32 to index
    %swap3A_531 = arith.constant 0 : index
    %swap3A_532 = tpu.vector_load %arg8[%swap3A_530, %swap3A_531] {strides = array<i32>} : memref<128x16xf32, #tpu.memory_space<vmem>>, vector<1x16xf32>,
    %swap3A_533 = vector.shape_cast %swap3A_532 : vector<1x16xf32> to vector<16xf32>
    %swap3A_534 = vector.shape_cast %broadcast_in_dim3A_1 : vector<16xf32> to vector<1x16xf32>
    tpu.vector_store %arg8[%swap3A_530, %swap3A_531], %swap3A_534 {strides = array<i32>} : memref<128x16xf32, #tpu.memory_space<vmem>>, vector<1x16xf32>,
    %swap3A_535 = arith.constant 89 : i32
    %swap3A_536 = arith.index_cast %swap3A_535 : i32 to index
    %swap3A_537 = arith.constant 0 : index
    %swap3A_538 = tpu.vector_load %arg8[%swap3A_536, %swap3A_537] {strides = array<i32>} : memref<128x16xf32, #tpu.memory_space<vmem>>, vector<1x16xf32>,
    %swap3A_539 = vector.shape_cast %swap3A_538 : vector<1x16xf32> to vector<16xf32>
    %swap3A_540 = vector.shape_cast %broadcast_in_dim3A_1 : vector<16xf32> to vector<1x16xf32>
    tpu.vector_store %arg8[%swap3A_536, %swap3A_537], %swap3A_540 {strides = array<i32>} : memref<128x16xf32, #tpu.memory_space<vmem>>, vector<1x16xf32>,
    %swap3A_541 = arith.constant 90 : i32
    %swap3A_542 = arith.index_cast %swap3A_541 : i32 to index
    %swap3A_543 = arith.constant 0 : index
    %swap3A_544 = tpu.vector_load %arg8[%swap3A_542, %swap3A_543] {strides = array<i32>} : memref<128x16xf32, #tpu.memory_space<vmem>>, vector<1x16xf32>,
    %swap3A_545 = vector.shape_cast %swap3A_544 : vector<1x16xf32> to vector<16xf32>
    %swap3A_546 = vector.shape_cast %broadcast_in_dim3A_1 : vector<16xf32> to vector<1x16xf32>
    tpu.vector_store %arg8[%swap3A_542, %swap3A_543], %swap3A_546 {strides = array<i32>} : memref<128x16xf32, #tpu.memory_space<vmem>>, vector<1x16xf32>,
    %swap3A_547 = arith.constant 91 : i32
    %swap3A_548 = arith.index_cast %swap3A_547 : i32 to index
    %swap3A_549 = arith.constant 0 : index
    %swap3A_550 = tpu.vector_load %arg8[%swap3A_548, %swap3A_549] {strides = array<i32>} : memref<128x16xf32, #tpu.memory_space<vmem>>, vector<1x16xf32>,
    %swap3A_551 = vector.shape_cast %swap3A_550 : vector<1x16xf32> to vector<16xf32>
    %swap3A_552 = vector.shape_cast %broadcast_in_dim3A_1 : vector<16xf32> to vector<1x16xf32>
    tpu.vector_store %arg8[%swap3A_548, %swap3A_549], %swap3A_552 {strides = array<i32>} : memref<128x16xf32, #tpu.memory_space<vmem>>, vector<1x16xf32>,
    %swap3A_553 = arith.constant 92 : i32
    %swap3A_554 = arith.index_cast %swap3A_553 : i32 to index
    %swap3A_555 = arith.constant 0 : index
    %swap3A_556 = tpu.vector_load %arg8[%swap3A_554, %swap3A_555] {strides = array<i32>} : memref<128x16xf32, #tpu.memory_space<vmem>>, vector<1x16xf32>,
    %swap3A_557 = vector.shape_cast %swap3A_556 : vector<1x16xf32> to vector<16xf32>
    %swap3A_558 = vector.shape_cast %broadcast_in_dim3A_1 : vector<16xf32> to vector<1x16xf32>
    tpu.vector_store %arg8[%swap3A_554, %swap3A_555], %swap3A_558 {strides = array<i32>} : memref<128x16xf32, #tpu.memory_space<vmem>>, vector<1x16xf32>,
    %swap3A_559 = arith.constant 93 : i32
    %swap3A_560 = arith.index_cast %swap3A_559 : i32 to index
    %swap3A_561 = arith.constant 0 : index
    %swap3A_562 = tpu.vector_load %arg8[%swap3A_560, %swap3A_561] {strides = array<i32>} : memref<128x16xf32, #tpu.memory_space<vmem>>, vector<1x16xf32>,
    %swap3A_563 = vector.shape_cast %swap3A_562 : vector<1x16xf32> to vector<16xf32>
    %swap3A_564 = vector.shape_cast %broadcast_in_dim3A_1 : vector<16xf32> to vector<1x16xf32>
    tpu.vector_store %arg8[%swap3A_560, %swap3A_561], %swap3A_564 {strides = array<i32>} : memref<128x16xf32, #tpu.memory_space<vmem>>, vector<1x16xf32>,
    %swap3A_565 = arith.constant 94 : i32
    %swap3A_566 = arith.index_cast %swap3A_565 : i32 to index
    %swap3A_567 = arith.constant 0 : index
    %swap3A_568 = tpu.vector_load %arg8[%swap3A_566, %swap3A_567] {strides = array<i32>} : memref<128x16xf32, #tpu.memory_space<vmem>>, vector<1x16xf32>,
    %swap3A_569 = vector.shape_cast %swap3A_568 : vector<1x16xf32> to vector<16xf32>
    %swap3A_570 = vector.shape_cast %broadcast_in_dim3A_1 : vector<16xf32> to vector<1x16xf32>
    tpu.vector_store %arg8[%swap3A_566, %swap3A_567], %swap3A_570 {strides = array<i32>} : memref<128x16xf32, #tpu.memory_space<vmem>>, vector<1x16xf32>,
    %swap3A_571 = arith.constant 95 : i32
    %swap3A_572 = arith.index_cast %swap3A_571 : i32 to index
    %swap3A_573 = arith.constant 0 : index
    %swap3A_574 = tpu.vector_load %arg8[%swap3A_572, %swap3A_573] {strides = array<i32>} : memref<128x16xf32, #tpu.memory_space<vmem>>, vector<1x16xf32>,
    %swap3A_575 = vector.shape_cast %swap3A_574 : vector<1x16xf32> to vector<16xf32>
    %swap3A_576 = vector.shape_cast %broadcast_in_dim3A_1 : vector<16xf32> to vector<1x16xf32>
    tpu.vector_store %arg8[%swap3A_572, %swap3A_573], %swap3A_576 {strides = array<i32>} : memref<128x16xf32, #tpu.memory_space<vmem>>, vector<1x16xf32>,
    %swap3A_577 = arith.constant 96 : i32
    %swap3A_578 = arith.index_cast %swap3A_577 : i32 to index
    %swap3A_579 = arith.constant 0 : index
    %swap3A_580 = tpu.vector_load %arg8[%swap3A_578, %swap3A_579] {strides = array<i32>} : memref<128x16xf32, #tpu.memory_space<vmem>>, vector<1x16xf32>,
    %swap3A_581 = vector.shape_cast %swap3A_580 : vector<1x16xf32> to vector<16xf32>
    %swap3A_582 = vector.shape_cast %broadcast_in_dim3A_1 : vector<16xf32> to vector<1x16xf32>
    tpu.vector_store %arg8[%swap3A_578, %swap3A_579], %swap3A_582 {strides = array<i32>} : memref<128x16xf32, #tpu.memory_space<vmem>>, vector<1x16xf32>,
    %swap3A_583 = arith.constant 97 : i32
    %swap3A_584 = arith.index_cast %swap3A_583 : i32 to index
    %swap3A_585 = arith.constant 0 : index
    %swap3A_586 = tpu.vector_load %arg8[%swap3A_584, %swap3A_585] {strides = array<i32>} : memref<128x16xf32, #tpu.memory_space<vmem>>, vector<1x16xf32>,
    %swap3A_587 = vector.shape_cast %swap3A_586 : vector<1x16xf32> to vector<16xf32>
    %swap3A_588 = vector.shape_cast %broadcast_in_dim3A_1 : vector<16xf32> to vector<1x16xf32>
    tpu.vector_store %arg8[%swap3A_584, %swap3A_585], %swap3A_588 {strides = array<i32>} : memref<128x16xf32, #tpu.memory_space<vmem>>, vector<1x16xf32>,
    %swap3A_589 = arith.constant 98 : i32
    %swap3A_590 = arith.index_cast %swap3A_589 : i32 to index
    %swap3A_591 = arith.constant 0 : index
    %swap3A_592 = tpu.vector_load %arg8[%swap3A_590, %swap3A_591] {strides = array<i32>} : memref<128x16xf32, #tpu.memory_space<vmem>>, vector<1x16xf32>,
    %swap3A_593 = vector.shape_cast %swap3A_592 : vector<1x16xf32> to vector<16xf32>
    %swap3A_594 = vector.shape_cast %broadcast_in_dim3A_1 : vector<16xf32> to vector<1x16xf32>
    tpu.vector_store %arg8[%swap3A_590, %swap3A_591], %swap3A_594 {strides = array<i32>} : memref<128x16xf32, #tpu.memory_space<vmem>>, vector<1x16xf32>,
    %swap3A_595 = arith.constant 99 : i32
    %swap3A_596 = arith.index_cast %swap3A_595 : i32 to index
    %swap3A_597 = arith.constant 0 : index
    %swap3A_598 = tpu.vector_load %arg8[%swap3A_596, %swap3A_597] {strides = array<i32>} : memref<128x16xf32, #tpu.memory_space<vmem>>, vector<1x16xf32>,
    %swap3A_599 = vector.shape_cast %swap3A_598 : vector<1x16xf32> to vector<16xf32>
    %swap3A_600 = vector.shape_cast %broadcast_in_dim3A_1 : vector<16xf32> to vector<1x16xf32>
    tpu.vector_store %arg8[%swap3A_596, %swap3A_597], %swap3A_600 {strides = array<i32>} : memref<128x16xf32, #tpu.memory_space<vmem>>, vector<1x16xf32>,
    %swap3A_601 = arith.constant 100 : i32
    %swap3A_602 = arith.index_cast %swap3A_601 : i32 to index
    %swap3A_603 = arith.constant 0 : index
    %swap3A_604 = tpu.vector_load %arg8[%swap3A_602, %swap3A_603] {strides = array<i32>} : memref<128x16xf32, #tpu.memory_space<vmem>>, vector<1x16xf32>,
    %swap3A_605 = vector.shape_cast %swap3A_604 : vector<1x16xf32> to vector<16xf32>
    %swap3A_606 = vector.shape_cast %broadcast_in_dim3A_1 : vector<16xf32> to vector<1x16xf32>
    tpu.vector_store %arg8[%swap3A_602, %swap3A_603], %swap3A_606 {strides = array<i32>} : memref<128x16xf32, #tpu.memory_space<vmem>>, vector<1x16xf32>,
    %swap3A_607 = arith.constant 101 : i32
    %swap3A_608 = arith.index_cast %swap3A_607 : i32 to index
    %swap3A_609 = arith.constant 0 : index
    %swap3A_610 = tpu.vector_load %arg8[%swap3A_608, %swap3A_609] {strides = array<i32>} : memref<128x16xf32, #tpu.memory_space<vmem>>, vector<1x16xf32>,
    %swap3A_611 = vector.shape_cast %swap3A_610 : vector<1x16xf32> to vector<16xf32>
    %swap3A_612 = vector.shape_cast %broadcast_in_dim3A_1 : vector<16xf32> to vector<1x16xf32>
    tpu.vector_store %arg8[%swap3A_608, %swap3A_609], %swap3A_612 {strides = array<i32>} : memref<128x16xf32, #tpu.memory_space<vmem>>, vector<1x16xf32>,
    %swap3A_613 = arith.constant 102 : i32
    %swap3A_614 = arith.index_cast %swap3A_613 : i32 to index
    %swap3A_615 = arith.constant 0 : index
    %swap3A_616 = tpu.vector_load %arg8[%swap3A_614, %swap3A_615] {strides = array<i32>} : memref<128x16xf32, #tpu.memory_space<vmem>>, vector<1x16xf32>,
    %swap3A_617 = vector.shape_cast %swap3A_616 : vector<1x16xf32> to vector<16xf32>
    %swap3A_618 = vector.shape_cast %broadcast_in_dim3A_1 : vector<16xf32> to vector<1x16xf32>
    tpu.vector_store %arg8[%swap3A_614, %swap3A_615], %swap3A_618 {strides = array<i32>} : memref<128x16xf32, #tpu.memory_space<vmem>>, vector<1x16xf32>,
    %swap3A_619 = arith.constant 103 : i32
    %swap3A_620 = arith.index_cast %swap3A_619 : i32 to index
    %swap3A_621 = arith.constant 0 : index
    %swap3A_622 = tpu.vector_load %arg8[%swap3A_620, %swap3A_621] {strides = array<i32>} : memref<128x16xf32, #tpu.memory_space<vmem>>, vector<1x16xf32>,
    %swap3A_623 = vector.shape_cast %swap3A_622 : vector<1x16xf32> to vector<16xf32>
    %swap3A_624 = vector.shape_cast %broadcast_in_dim3A_1 : vector<16xf32> to vector<1x16xf32>
    tpu.vector_store %arg8[%swap3A_620, %swap3A_621], %swap3A_624 {strides = array<i32>} : memref<128x16xf32, #tpu.memory_space<vmem>>, vector<1x16xf32>,
    %swap3A_625 = arith.constant 104 : i32
    %swap3A_626 = arith.index_cast %swap3A_625 : i32 to index
    %swap3A_627 = arith.constant 0 : index
    %swap3A_628 = tpu.vector_load %arg8[%swap3A_626, %swap3A_627] {strides = array<i32>} : memref<128x16xf32, #tpu.memory_space<vmem>>, vector<1x16xf32>,
    %swap3A_629 = vector.shape_cast %swap3A_628 : vector<1x16xf32> to vector<16xf32>
    %swap3A_630 = vector.shape_cast %broadcast_in_dim3A_1 : vector<16xf32> to vector<1x16xf32>
    tpu.vector_store %arg8[%swap3A_626, %swap3A_627], %swap3A_630 {strides = array<i32>} : memref<128x16xf32, #tpu.memory_space<vmem>>, vector<1x16xf32>,
    %swap3A_631 = arith.constant 105 : i32
    %swap3A_632 = arith.index_cast %swap3A_631 : i32 to index
    %swap3A_633 = arith.constant 0 : index
    %swap3A_634 = tpu.vector_load %arg8[%swap3A_632, %swap3A_633] {strides = array<i32>} : memref<128x16xf32, #tpu.memory_space<vmem>>, vector<1x16xf32>,
    %swap3A_635 = vector.shape_cast %swap3A_634 : vector<1x16xf32> to vector<16xf32>
    %swap3A_636 = vector.shape_cast %broadcast_in_dim3A_1 : vector<16xf32> to vector<1x16xf32>
    tpu.vector_store %arg8[%swap3A_632, %swap3A_633], %swap3A_636 {strides = array<i32>} : memref<128x16xf32, #tpu.memory_space<vmem>>, vector<1x16xf32>,
    %swap3A_637 = arith.constant 106 : i32
    %swap3A_638 = arith.index_cast %swap3A_637 : i32 to index
    %swap3A_639 = arith.constant 0 : index
    %swap3A_640 = tpu.vector_load %arg8[%swap3A_638, %swap3A_639] {strides = array<i32>} : memref<128x16xf32, #tpu.memory_space<vmem>>, vector<1x16xf32>,
    %swap3A_641 = vector.shape_cast %swap3A_640 : vector<1x16xf32> to vector<16xf32>
    %swap3A_642 = vector.shape_cast %broadcast_in_dim3A_1 : vector<16xf32> to vector<1x16xf32>
    tpu.vector_store %arg8[%swap3A_638, %swap3A_639], %swap3A_642 {strides = array<i32>} : memref<128x16xf32, #tpu.memory_space<vmem>>, vector<1x16xf32>,
    %swap3A_643 = arith.constant 107 : i32
    %swap3A_644 = arith.index_cast %swap3A_643 : i32 to index
    %swap3A_645 = arith.constant 0 : index
    %swap3A_646 = tpu.vector_load %arg8[%swap3A_644, %swap3A_645] {strides = array<i32>} : memref<128x16xf32, #tpu.memory_space<vmem>>, vector<1x16xf32>,
    %swap3A_647 = vector.shape_cast %swap3A_646 : vector<1x16xf32> to vector<16xf32>
    %swap3A_648 = vector.shape_cast %broadcast_in_dim3A_1 : vector<16xf32> to vector<1x16xf32>
    tpu.vector_store %arg8[%swap3A_644, %swap3A_645], %swap3A_648 {strides = array<i32>} : memref<128x16xf32, #tpu.memory_space<vmem>>, vector<1x16xf32>,
    %swap3A_649 = arith.constant 108 : i32
    %swap3A_650 = arith.index_cast %swap3A_649 : i32 to index
    %swap3A_651 = arith.constant 0 : index
    %swap3A_652 = tpu.vector_load %arg8[%swap3A_650, %swap3A_651] {strides = array<i32>} : memref<128x16xf32, #tpu.memory_space<vmem>>, vector<1x16xf32>,
    %swap3A_653 = vector.shape_cast %swap3A_652 : vector<1x16xf32> to vector<16xf32>
    %swap3A_654 = vector.shape_cast %broadcast_in_dim3A_1 : vector<16xf32> to vector<1x16xf32>
    tpu.vector_store %arg8[%swap3A_650, %swap3A_651], %swap3A_654 {strides = array<i32>} : memref<128x16xf32, #tpu.memory_space<vmem>>, vector<1x16xf32>,
    %swap3A_655 = arith.constant 109 : i32
    %swap3A_656 = arith.index_cast %swap3A_655 : i32 to index
    %swap3A_657 = arith.constant 0 : index
    %swap3A_658 = tpu.vector_load %arg8[%swap3A_656, %swap3A_657] {strides = array<i32>} : memref<128x16xf32, #tpu.memory_space<vmem>>, vector<1x16xf32>,
    %swap3A_659 = vector.shape_cast %swap3A_658 : vector<1x16xf32> to vector<16xf32>
    %swap3A_660 = vector.shape_cast %broadcast_in_dim3A_1 : vector<16xf32> to vector<1x16xf32>
    tpu.vector_store %arg8[%swap3A_656, %swap3A_657], %swap3A_660 {strides = array<i32>} : memref<128x16xf32, #tpu.memory_space<vmem>>, vector<1x16xf32>,
    %swap3A_661 = arith.constant 110 : i32
    %swap3A_662 = arith.index_cast %swap3A_661 : i32 to index
    %swap3A_663 = arith.constant 0 : index
    %swap3A_664 = tpu.vector_load %arg8[%swap3A_662, %swap3A_663] {strides = array<i32>} : memref<128x16xf32, #tpu.memory_space<vmem>>, vector<1x16xf32>,
    %swap3A_665 = vector.shape_cast %swap3A_664 : vector<1x16xf32> to vector<16xf32>
    %swap3A_666 = vector.shape_cast %broadcast_in_dim3A_1 : vector<16xf32> to vector<1x16xf32>
    tpu.vector_store %arg8[%swap3A_662, %swap3A_663], %swap3A_666 {strides = array<i32>} : memref<128x16xf32, #tpu.memory_space<vmem>>, vector<1x16xf32>,
    %swap3A_667 = arith.constant 111 : i32
    %swap3A_668 = arith.index_cast %swap3A_667 : i32 to index
    %swap3A_669 = arith.constant 0 : index
    %swap3A_670 = tpu.vector_load %arg8[%swap3A_668, %swap3A_669] {strides = array<i32>} : memref<128x16xf32, #tpu.memory_space<vmem>>, vector<1x16xf32>,
    %swap3A_671 = vector.shape_cast %swap3A_670 : vector<1x16xf32> to vector<16xf32>
    %swap3A_672 = vector.shape_cast %broadcast_in_dim3A_1 : vector<16xf32> to vector<1x16xf32>
    tpu.vector_store %arg8[%swap3A_668, %swap3A_669], %swap3A_672 {strides = array<i32>} : memref<128x16xf32, #tpu.memory_space<vmem>>, vector<1x16xf32>,
    %swap3A_673 = arith.constant 112 : i32
    %swap3A_674 = arith.index_cast %swap3A_673 : i32 to index
    %swap3A_675 = arith.constant 0 : index
    %swap3A_676 = tpu.vector_load %arg8[%swap3A_674, %swap3A_675] {strides = array<i32>} : memref<128x16xf32, #tpu.memory_space<vmem>>, vector<1x16xf32>,
    %swap3A_677 = vector.shape_cast %swap3A_676 : vector<1x16xf32> to vector<16xf32>
    %swap3A_678 = vector.shape_cast %broadcast_in_dim3A_1 : vector<16xf32> to vector<1x16xf32>
    tpu.vector_store %arg8[%swap3A_674, %swap3A_675], %swap3A_678 {strides = array<i32>} : memref<128x16xf32, #tpu.memory_space<vmem>>, vector<1x16xf32>,
    %swap3A_679 = arith.constant 113 : i32
    %swap3A_680 = arith.index_cast %swap3A_679 : i32 to index
    %swap3A_681 = arith.constant 0 : index
    %swap3A_682 = tpu.vector_load %arg8[%swap3A_680, %swap3A_681] {strides = array<i32>} : memref<128x16xf32, #tpu.memory_space<vmem>>, vector<1x16xf32>,
    %swap3A_683 = vector.shape_cast %swap3A_682 : vector<1x16xf32> to vector<16xf32>
    %swap3A_684 = vector.shape_cast %broadcast_in_dim3A_1 : vector<16xf32> to vector<1x16xf32>
    tpu.vector_store %arg8[%swap3A_680, %swap3A_681], %swap3A_684 {strides = array<i32>} : memref<128x16xf32, #tpu.memory_space<vmem>>, vector<1x16xf32>,
    %swap3A_685 = arith.constant 114 : i32
    %swap3A_686 = arith.index_cast %swap3A_685 : i32 to index
    %swap3A_687 = arith.constant 0 : index
    %swap3A_688 = tpu.vector_load %arg8[%swap3A_686, %swap3A_687] {strides = array<i32>} : memref<128x16xf32, #tpu.memory_space<vmem>>, vector<1x16xf32>,
    %swap3A_689 = vector.shape_cast %swap3A_688 : vector<1x16xf32> to vector<16xf32>
    %swap3A_690 = vector.shape_cast %broadcast_in_dim3A_1 : vector<16xf32> to vector<1x16xf32>
    tpu.vector_store %arg8[%swap3A_686, %swap3A_687], %swap3A_690 {strides = array<i32>} : memref<128x16xf32, #tpu.memory_space<vmem>>, vector<1x16xf32>,
    %swap3A_691 = arith.constant 115 : i32
    %swap3A_692 = arith.index_cast %swap3A_691 : i32 to index
    %swap3A_693 = arith.constant 0 : index
    %swap3A_694 = tpu.vector_load %arg8[%swap3A_692, %swap3A_693] {strides = array<i32>} : memref<128x16xf32, #tpu.memory_space<vmem>>, vector<1x16xf32>,
    %swap3A_695 = vector.shape_cast %swap3A_694 : vector<1x16xf32> to vector<16xf32>
    %swap3A_696 = vector.shape_cast %broadcast_in_dim3A_1 : vector<16xf32> to vector<1x16xf32>
    tpu.vector_store %arg8[%swap3A_692, %swap3A_693], %swap3A_696 {strides = array<i32>} : memref<128x16xf32, #tpu.memory_space<vmem>>, vector<1x16xf32>,
    %swap3A_697 = arith.constant 116 : i32
    %swap3A_698 = arith.index_cast %swap3A_697 : i32 to index
    %swap3A_699 = arith.constant 0 : index
    %swap3A_700 = tpu.vector_load %arg8[%swap3A_698, %swap3A_699] {strides = array<i32>} : memref<128x16xf32, #tpu.memory_space<vmem>>, vector<1x16xf32>,
    %swap3A_701 = vector.shape_cast %swap3A_700 : vector<1x16xf32> to vector<16xf32>
    %swap3A_702 = vector.shape_cast %broadcast_in_dim3A_1 : vector<16xf32> to vector<1x16xf32>
    tpu.vector_store %arg8[%swap3A_698, %swap3A_699], %swap3A_702 {strides = array<i32>} : memref<128x16xf32, #tpu.memory_space<vmem>>, vector<1x16xf32>,
    %swap3A_703 = arith.constant 117 : i32
    %swap3A_704 = arith.index_cast %swap3A_703 : i32 to index
    %swap3A_705 = arith.constant 0 : index
    %swap3A_706 = tpu.vector_load %arg8[%swap3A_704, %swap3A_705] {strides = array<i32>} : memref<128x16xf32, #tpu.memory_space<vmem>>, vector<1x16xf32>,
    %swap3A_707 = vector.shape_cast %swap3A_706 : vector<1x16xf32> to vector<16xf32>
    %swap3A_708 = vector.shape_cast %broadcast_in_dim3A_1 : vector<16xf32> to vector<1x16xf32>
    tpu.vector_store %arg8[%swap3A_704, %swap3A_705], %swap3A_708 {strides = array<i32>} : memref<128x16xf32, #tpu.memory_space<vmem>>, vector<1x16xf32>,
    %swap3A_709 = arith.constant 118 : i32
    %swap3A_710 = arith.index_cast %swap3A_709 : i32 to index
    %swap3A_711 = arith.constant 0 : index
    %swap3A_712 = tpu.vector_load %arg8[%swap3A_710, %swap3A_711] {strides = array<i32>} : memref<128x16xf32, #tpu.memory_space<vmem>>, vector<1x16xf32>,
    %swap3A_713 = vector.shape_cast %swap3A_712 : vector<1x16xf32> to vector<16xf32>
    %swap3A_714 = vector.shape_cast %broadcast_in_dim3A_1 : vector<16xf32> to vector<1x16xf32>
    tpu.vector_store %arg8[%swap3A_710, %swap3A_711], %swap3A_714 {strides = array<i32>} : memref<128x16xf32, #tpu.memory_space<vmem>>, vector<1x16xf32>,
    %swap3A_715 = arith.constant 119 : i32
    %swap3A_716 = arith.index_cast %swap3A_715 : i32 to index
    %swap3A_717 = arith.constant 0 : index
    %swap3A_718 = tpu.vector_load %arg8[%swap3A_716, %swap3A_717] {strides = array<i32>} : memref<128x16xf32, #tpu.memory_space<vmem>>, vector<1x16xf32>,
    %swap3A_719 = vector.shape_cast %swap3A_718 : vector<1x16xf32> to vector<16xf32>
    %swap3A_720 = vector.shape_cast %broadcast_in_dim3A_1 : vector<16xf32> to vector<1x16xf32>
    tpu.vector_store %arg8[%swap3A_716, %swap3A_717], %swap3A_720 {strides = array<i32>} : memref<128x16xf32, #tpu.memory_space<vmem>>, vector<1x16xf32>,
    %swap3A_721 = arith.constant 120 : i32
    %swap3A_722 = arith.index_cast %swap3A_721 : i32 to index
    %swap3A_723 = arith.constant 0 : index
    %swap3A_724 = tpu.vector_load %arg8[%swap3A_722, %swap3A_723] {strides = array<i32>} : memref<128x16xf32, #tpu.memory_space<vmem>>, vector<1x16xf32>,
    %swap3A_725 = vector.shape_cast %swap3A_724 : vector<1x16xf32> to vector<16xf32>
    %swap3A_726 = vector.shape_cast %broadcast_in_dim3A_1 : vector<16xf32> to vector<1x16xf32>
    tpu.vector_store %arg8[%swap3A_722, %swap3A_723], %swap3A_726 {strides = array<i32>} : memref<128x16xf32, #tpu.memory_space<vmem>>, vector<1x16xf32>,
    %swap3A_727 = arith.constant 121 : i32
    %swap3A_728 = arith.index_cast %swap3A_727 : i32 to index
    %swap3A_729 = arith.constant 0 : index
    %swap3A_730 = tpu.vector_load %arg8[%swap3A_728, %swap3A_729] {strides = array<i32>} : memref<128x16xf32, #tpu.memory_space<vmem>>, vector<1x16xf32>,
    %swap3A_731 = vector.shape_cast %swap3A_730 : vector<1x16xf32> to vector<16xf32>
    %swap3A_732 = vector.shape_cast %broadcast_in_dim3A_1 : vector<16xf32> to vector<1x16xf32>
    tpu.vector_store %arg8[%swap3A_728, %swap3A_729], %swap3A_732 {strides = array<i32>} : memref<128x16xf32, #tpu.memory_space<vmem>>, vector<1x16xf32>,
    %swap3A_733 = arith.constant 122 : i32
    %swap3A_734 = arith.index_cast %swap3A_733 : i32 to index
    %swap3A_735 = arith.constant 0 : index
    %swap3A_736 = tpu.vector_load %arg8[%swap3A_734, %swap3A_735] {strides = array<i32>} : memref<128x16xf32, #tpu.memory_space<vmem>>, vector<1x16xf32>,
    %swap3A_737 = vector.shape_cast %swap3A_736 : vector<1x16xf32> to vector<16xf32>
    %swap3A_738 = vector.shape_cast %broadcast_in_dim3A_1 : vector<16xf32> to vector<1x16xf32>
    tpu.vector_store %arg8[%swap3A_734, %swap3A_735], %swap3A_738 {strides = array<i32>} : memref<128x16xf32, #tpu.memory_space<vmem>>, vector<1x16xf32>,
    %swap3A_739 = arith.constant 123 : i32
    %swap3A_740 = arith.index_cast %swap3A_739 : i32 to index
    %swap3A_741 = arith.constant 0 : index
    %swap3A_742 = tpu.vector_load %arg8[%swap3A_740, %swap3A_741] {strides = array<i32>} : memref<128x16xf32, #tpu.memory_space<vmem>>, vector<1x16xf32>,
    %swap3A_743 = vector.shape_cast %swap3A_742 : vector<1x16xf32> to vector<16xf32>
    %swap3A_744 = vector.shape_cast %broadcast_in_dim3A_1 : vector<16xf32> to vector<1x16xf32>
    tpu.vector_store %arg8[%swap3A_740, %swap3A_741], %swap3A_744 {strides = array<i32>} : memref<128x16xf32, #tpu.memory_space<vmem>>, vector<1x16xf32>,
    %swap3A_745 = arith.constant 124 : i32
    %swap3A_746 = arith.index_cast %swap3A_745 : i32 to index
    %swap3A_747 = arith.constant 0 : index
    %swap3A_748 = tpu.vector_load %arg8[%swap3A_746, %swap3A_747] {strides = array<i32>} : memref<128x16xf32, #tpu.memory_space<vmem>>, vector<1x16xf32>,
    %swap3A_749 = vector.shape_cast %swap3A_748 : vector<1x16xf32> to vector<16xf32>
    %swap3A_750 = vector.shape_cast %broadcast_in_dim3A_1 : vector<16xf32> to vector<1x16xf32>
    tpu.vector_store %arg8[%swap3A_746, %swap3A_747], %swap3A_750 {strides = array<i32>} : memref<128x16xf32, #tpu.memory_space<vmem>>, vector<1x16xf32>,
    %swap3A_751 = arith.constant 125 : i32
    %swap3A_752 = arith.index_cast %swap3A_751 : i32 to index
    %swap3A_753 = arith.constant 0 : index
    %swap3A_754 = tpu.vector_load %arg8[%swap3A_752, %swap3A_753] {strides = array<i32>} : memref<128x16xf32, #tpu.memory_space<vmem>>, vector<1x16xf32>,
    %swap3A_755 = vector.shape_cast %swap3A_754 : vector<1x16xf32> to vector<16xf32>
    %swap3A_756 = vector.shape_cast %broadcast_in_dim3A_1 : vector<16xf32> to vector<1x16xf32>
    tpu.vector_store %arg8[%swap3A_752, %swap3A_753], %swap3A_756 {strides = array<i32>} : memref<128x16xf32, #tpu.memory_space<vmem>>, vector<1x16xf32>,
    %swap3A_757 = arith.constant 126 : i32
    %swap3A_758 = arith.index_cast %swap3A_757 : i32 to index
    %swap3A_759 = arith.constant 0 : index
    %swap3A_760 = tpu.vector_load %arg8[%swap3A_758, %swap3A_759] {strides = array<i32>} : memref<128x16xf32, #tpu.memory_space<vmem>>, vector<1x16xf32>,
    %swap3A_761 = vector.shape_cast %swap3A_760 : vector<1x16xf32> to vector<16xf32>
    %swap3A_762 = vector.shape_cast %broadcast_in_dim3A_1 : vector<16xf32> to vector<1x16xf32>
    tpu.vector_store %arg8[%swap3A_758, %swap3A_759], %swap3A_762 {strides = array<i32>} : memref<128x16xf32, #tpu.memory_space<vmem>>, vector<1x16xf32>,
    %swap3A_763 = arith.constant 127 : i32
    %swap3A_764 = arith.index_cast %swap3A_763 : i32 to index
    %swap3A_765 = arith.constant 0 : index
    %swap3A_766 = tpu.vector_load %arg8[%swap3A_764, %swap3A_765] {strides = array<i32>} : memref<128x16xf32, #tpu.memory_space<vmem>>, vector<1x16xf32>,
    %swap3A_767 = vector.shape_cast %swap3A_766 : vector<1x16xf32> to vector<16xf32>
    %swap3A_768 = vector.shape_cast %broadcast_in_dim3A_1 : vector<16xf32> to vector<1x16xf32>
    tpu.vector_store %arg8[%swap3A_764, %swap3A_765], %swap3A_768 {strides = array<i32>} : memref<128x16xf32, #tpu.memory_space<vmem>>, vector<1x16xf32>,
    "tpu.region"() ({
      %run_scoped3A = tpu.sem_alloc : memref<!tpu.dma_semaphore, #tpu.memory_space<semaphore_mem>>
      %dma_start3A = arith.constant 0 : i32
      %dma_start3A_776 = tpu.memref_slice %arg9[%mul3A_0, %dma_start3A] : memref<60032x16xf32, #tpu.memory_space<vmem_shared>> -> memref<3752x16xf32, #tpu.memory_space<vmem_shared>>
      %dma_start3A_777 = arith.constant 0 : i32
      %dma_start3A_778 = tpu.memref_slice %arg4[%mul3A_0, %dma_start3A_777] : memref<60032x16xf32, #tpu.memory_space<hbm>> -> memref<3752x16xf32, #tpu.memory_space<hbm>>
      tpu.enqueue_dma source(%dma_start3A_778 : memref<3752x16xf32, #tpu.memory_space<hbm>>) target(%dma_start3A_776 : memref<3752x16xf32, #tpu.memory_space<vmem_shared>>) target_semaphore(%run_scoped3A : memref<!tpu.dma_semaphore, #tpu.memory_space<semaphore_mem>>)
      %dma_wait3A = arith.constant 0 : i32
      %dma_wait3A_779 = tpu.memref_slice %arg9[%mul3A_0, %dma_wait3A] : memref<60032x16xf32, #tpu.memory_space<vmem_shared>> -> memref<3752x16xf32, #tpu.memory_space<vmem_shared>>
      %dma_wait3A_780 = arith.constant 0 : i32
      %dma_wait3A_781 = tpu.memref_slice %arg4[%mul3A_0, %dma_wait3A_780] : memref<60032x16xf32, #tpu.memory_space<hbm>> -> memref<3752x16xf32, #tpu.memory_space<hbm>>
      tpu.wait_dma2 semaphore(%run_scoped3A : memref<!tpu.dma_semaphore, #tpu.memory_space<semaphore_mem>>) src(%dma_wait3A_781 : memref<3752x16xf32, #tpu.memory_space<hbm>>) dst(%dma_wait3A_779 : memref<3752x16xf32, #tpu.memory_space<vmem_shared>>)
      tpu.yield
    }) : () -> ()
    %barrier3A = arith.constant 0 : index
    tpu.barrier barrier_id(%barrier3A)
    %eq3A = arith.constant 0 : i32
    %eq3A_769 = arith.cmpi eq, %arg0, %eq3A : i32
    %convert_element_type3A = arith.extui %eq3A_769 : i1 to i32
    %cond3A = arith.constant 0 : i32
    %cond3A_770 = arith.cmpi ne, %convert_element_type3A, %cond3A : i32
    scf.if %cond3A_770 {
      %scan3A = arith.constant 0 : i32
      %scan3A_776 = arith.constant 0 : i32
      %scan3A_777 = arith.constant 59 : i32
      %scan3A_778 = arith.addi %scan3A_776, %scan3A_777 : i32
      %scan3A_779 = arith.constant 1 : i32
      scf.for %scan3A_782 = %scan3A_776 to %scan3A_778 step %scan3A_779  : i32 {
        %mul3A_783 = arith.constant 472 : i32
        %mul3A_784 = arith.muli %arg1, %mul3A_783 : i32
        %mul3A_785 = arith.constant 8 : i32
        %mul3A_786 = arith.muli %scan3A_782, %mul3A_785 : i32
        %add3A = arith.addi %mul3A_784, %mul3A_786 : i32
        "tpu.region"() ({
          %run_scoped3A = tpu.sem_alloc : memref<!tpu.dma_semaphore, #tpu.memory_space<semaphore_mem>>
          %dma_start3A_897 = arith.constant 0 : i32
          %dma_start3A_898 = tpu.memref_slice %arg2[%add3A, %dma_start3A_897] : memref<7552x128xi32, #tpu.memory_space<hbm>> -> memref<8x128xi32, #tpu.memory_space<hbm>>
          %dma_start3A_899 = arith.constant 0 : i32
          %dma_start3A_900 = tpu.memref_slice %arg2[%add3A, %dma_start3A_899] : memref<7552x128xi32, #tpu.memory_space<hbm>> -> memref<8x128xi32, #tpu.memory_space<hbm>>
          tpu.enqueue_dma source(%dma_start3A_900 : memref<8x128xi32, #tpu.memory_space<hbm>>) target(%arg7 : memref<8x128xi32, #tpu.memory_space<vmem>>) target_semaphore(%run_scoped3A : memref<!tpu.dma_semaphore, #tpu.memory_space<semaphore_mem>>)
          %dma_wait3A_901 = arith.constant 0 : i32
          %dma_wait3A_902 = tpu.memref_slice %arg2[%add3A, %dma_wait3A_901] : memref<7552x128xi32, #tpu.memory_space<hbm>> -> memref<8x128xi32, #tpu.memory_space<hbm>>
          %dma_wait3A_903 = arith.constant 0 : i32
          %dma_wait3A_904 = tpu.memref_slice %arg2[%add3A, %dma_wait3A_903] : memref<7552x128xi32, #tpu.memory_space<hbm>> -> memref<8x128xi32, #tpu.memory_space<hbm>>
          tpu.wait_dma2 semaphore(%run_scoped3A : memref<!tpu.dma_semaphore, #tpu.memory_space<semaphore_mem>>) src(%dma_wait3A_904 : memref<8x128xi32, #tpu.memory_space<hbm>>) dst(%arg7 : memref<8x128xi32, #tpu.memory_space<vmem>>)
          tpu.yield
        }) : () -> ()
        %dma_start3A = arith.constant 0 : i32
        %dma_start3A_787 = arith.constant 0 : i32
        %dma_start3A_788 = tpu.memref_slice %arg7[%dma_start3A, %dma_start3A_787] : memref<8x128xi32, #tpu.memory_space<vmem>> -> memref<1x128xi32, #tpu.memory_space<vmem>>
        %dma_start3A_789 = tpu.memref_squeeze %dma_start3A_788 : memref<1x128xi32, #tpu.memory_space<vmem>> -> memref<128xi32, #tpu.memory_space<vmem>>
        %dma_start3A_790 = arith.constant 0 : i32
        %dma_start3A_791 = arith.constant 0 : i32
        %dma_start3A_792 = tpu.memref_slice %arg9[%dma_start3A_790, %dma_start3A_791] : memref<60032x16xf32, #tpu.memory_space<vmem_shared>> -> memref<60032x16xf32, #tpu.memory_space<vmem_shared>>
        tpu.enqueue_indirect_dma source(%arg8 : memref<128x16xf32, #tpu.memory_space<vmem>>) target(%dma_start3A_792 : memref<60032x16xf32, #tpu.memory_space<vmem_shared>>) offsets(%dma_start3A_789 : memref<128xi32, #tpu.memory_space<vmem>>) semaphore(%arg10 : memref<!tpu.dma_semaphore, #tpu.memory_space<semaphore_mem>>) {add = true}
        %dma_start3A_793 = arith.constant 1 : i32
        %dma_start3A_794 = arith.constant 0 : i32
        %dma_start3A_795 = tpu.memref_slice %arg7[%dma_start3A_793, %dma_start3A_794] : memref<8x128xi32, #tpu.memory_space<vmem>> -> memref<1x128xi32, #tpu.memory_space<vmem>>
        %dma_start3A_796 = tpu.memref_squeeze %dma_start3A_795 : memref<1x128xi32, #tpu.memory_space<vmem>> -> memref<128xi32, #tpu.memory_space<vmem>>
        %dma_start3A_797 = arith.constant 0 : i32
        %dma_start3A_798 = arith.constant 0 : i32
        %dma_start3A_799 = tpu.memref_slice %arg9[%dma_start3A_797, %dma_start3A_798] : memref<60032x16xf32, #tpu.memory_space<vmem_shared>> -> memref<60032x16xf32, #tpu.memory_space<vmem_shared>>
        tpu.enqueue_indirect_dma source(%arg8 : memref<128x16xf32, #tpu.memory_space<vmem>>) target(%dma_start3A_799 : memref<60032x16xf32, #tpu.memory_space<vmem_shared>>) offsets(%dma_start3A_796 : memref<128xi32, #tpu.memory_space<vmem>>) semaphore(%arg10 : memref<!tpu.dma_semaphore, #tpu.memory_space<semaphore_mem>>) {add = true}
        %dma_start3A_800 = arith.constant 2 : i32
        %dma_start3A_801 = arith.constant 0 : i32
        %dma_start3A_802 = tpu.memref_slice %arg7[%dma_start3A_800, %dma_start3A_801] : memref<8x128xi32, #tpu.memory_space<vmem>> -> memref<1x128xi32, #tpu.memory_space<vmem>>
        %dma_start3A_803 = tpu.memref_squeeze %dma_start3A_802 : memref<1x128xi32, #tpu.memory_space<vmem>> -> memref<128xi32, #tpu.memory_space<vmem>>
        %dma_start3A_804 = arith.constant 0 : i32
        %dma_start3A_805 = arith.constant 0 : i32
        %dma_start3A_806 = tpu.memref_slice %arg9[%dma_start3A_804, %dma_start3A_805] : memref<60032x16xf32, #tpu.memory_space<vmem_shared>> -> memref<60032x16xf32, #tpu.memory_space<vmem_shared>>
        tpu.enqueue_indirect_dma source(%arg8 : memref<128x16xf32, #tpu.memory_space<vmem>>) target(%dma_start3A_806 : memref<60032x16xf32, #tpu.memory_space<vmem_shared>>) offsets(%dma_start3A_803 : memref<128xi32, #tpu.memory_space<vmem>>) semaphore(%arg10 : memref<!tpu.dma_semaphore, #tpu.memory_space<semaphore_mem>>) {add = true}
        %dma_start3A_807 = arith.constant 3 : i32
        %dma_start3A_808 = arith.constant 0 : i32
        %dma_start3A_809 = tpu.memref_slice %arg7[%dma_start3A_807, %dma_start3A_808] : memref<8x128xi32, #tpu.memory_space<vmem>> -> memref<1x128xi32, #tpu.memory_space<vmem>>
        %dma_start3A_810 = tpu.memref_squeeze %dma_start3A_809 : memref<1x128xi32, #tpu.memory_space<vmem>> -> memref<128xi32, #tpu.memory_space<vmem>>
        %dma_start3A_811 = arith.constant 0 : i32
        %dma_start3A_812 = arith.constant 0 : i32
        %dma_start3A_813 = tpu.memref_slice %arg9[%dma_start3A_811, %dma_start3A_812] : memref<60032x16xf32, #tpu.memory_space<vmem_shared>> -> memref<60032x16xf32, #tpu.memory_space<vmem_shared>>
        tpu.enqueue_indirect_dma source(%arg8 : memref<128x16xf32, #tpu.memory_space<vmem>>) target(%dma_start3A_813 : memref<60032x16xf32, #tpu.memory_space<vmem_shared>>) offsets(%dma_start3A_810 : memref<128xi32, #tpu.memory_space<vmem>>) semaphore(%arg10 : memref<!tpu.dma_semaphore, #tpu.memory_space<semaphore_mem>>) {add = true}
        %dma_start3A_814 = arith.constant 4 : i32
        %dma_start3A_815 = arith.constant 0 : i32
        %dma_start3A_816 = tpu.memref_slice %arg7[%dma_start3A_814, %dma_start3A_815] : memref<8x128xi32, #tpu.memory_space<vmem>> -> memref<1x128xi32, #tpu.memory_space<vmem>>
        %dma_start3A_817 = tpu.memref_squeeze %dma_start3A_816 : memref<1x128xi32, #tpu.memory_space<vmem>> -> memref<128xi32, #tpu.memory_space<vmem>>
        %dma_start3A_818 = arith.constant 0 : i32
        %dma_start3A_819 = arith.constant 0 : i32
        %dma_start3A_820 = tpu.memref_slice %arg9[%dma_start3A_818, %dma_start3A_819] : memref<60032x16xf32, #tpu.memory_space<vmem_shared>> -> memref<60032x16xf32, #tpu.memory_space<vmem_shared>>
        tpu.enqueue_indirect_dma source(%arg8 : memref<128x16xf32, #tpu.memory_space<vmem>>) target(%dma_start3A_820 : memref<60032x16xf32, #tpu.memory_space<vmem_shared>>) offsets(%dma_start3A_817 : memref<128xi32, #tpu.memory_space<vmem>>) semaphore(%arg10 : memref<!tpu.dma_semaphore, #tpu.memory_space<semaphore_mem>>) {add = true}
        %dma_start3A_821 = arith.constant 5 : i32
        %dma_start3A_822 = arith.constant 0 : i32
        %dma_start3A_823 = tpu.memref_slice %arg7[%dma_start3A_821, %dma_start3A_822] : memref<8x128xi32, #tpu.memory_space<vmem>> -> memref<1x128xi32, #tpu.memory_space<vmem>>
        %dma_start3A_824 = tpu.memref_squeeze %dma_start3A_823 : memref<1x128xi32, #tpu.memory_space<vmem>> -> memref<128xi32, #tpu.memory_space<vmem>>
        %dma_start3A_825 = arith.constant 0 : i32
        %dma_start3A_826 = arith.constant 0 : i32
        %dma_start3A_827 = tpu.memref_slice %arg9[%dma_start3A_825, %dma_start3A_826] : memref<60032x16xf32, #tpu.memory_space<vmem_shared>> -> memref<60032x16xf32, #tpu.memory_space<vmem_shared>>
        tpu.enqueue_indirect_dma source(%arg8 : memref<128x16xf32, #tpu.memory_space<vmem>>) target(%dma_start3A_827 : memref<60032x16xf32, #tpu.memory_space<vmem_shared>>) offsets(%dma_start3A_824 : memref<128xi32, #tpu.memory_space<vmem>>) semaphore(%arg10 : memref<!tpu.dma_semaphore, #tpu.memory_space<semaphore_mem>>) {add = true}
        %dma_start3A_828 = arith.constant 6 : i32
        %dma_start3A_829 = arith.constant 0 : i32
        %dma_start3A_830 = tpu.memref_slice %arg7[%dma_start3A_828, %dma_start3A_829] : memref<8x128xi32, #tpu.memory_space<vmem>> -> memref<1x128xi32, #tpu.memory_space<vmem>>
        %dma_start3A_831 = tpu.memref_squeeze %dma_start3A_830 : memref<1x128xi32, #tpu.memory_space<vmem>> -> memref<128xi32, #tpu.memory_space<vmem>>
        %dma_start3A_832 = arith.constant 0 : i32
        %dma_start3A_833 = arith.constant 0 : i32
        %dma_start3A_834 = tpu.memref_slice %arg9[%dma_start3A_832, %dma_start3A_833] : memref<60032x16xf32, #tpu.memory_space<vmem_shared>> -> memref<60032x16xf32, #tpu.memory_space<vmem_shared>>
        tpu.enqueue_indirect_dma source(%arg8 : memref<128x16xf32, #tpu.memory_space<vmem>>) target(%dma_start3A_834 : memref<60032x16xf32, #tpu.memory_space<vmem_shared>>) offsets(%dma_start3A_831 : memref<128xi32, #tpu.memory_space<vmem>>) semaphore(%arg10 : memref<!tpu.dma_semaphore, #tpu.memory_space<semaphore_mem>>) {add = true}
        %dma_start3A_835 = arith.constant 7 : i32
        %dma_start3A_836 = arith.constant 0 : i32
        %dma_start3A_837 = tpu.memref_slice %arg7[%dma_start3A_835, %dma_start3A_836] : memref<8x128xi32, #tpu.memory_space<vmem>> -> memref<1x128xi32, #tpu.memory_space<vmem>>
        %dma_start3A_838 = tpu.memref_squeeze %dma_start3A_837 : memref<1x128xi32, #tpu.memory_space<vmem>> -> memref<128xi32, #tpu.memory_space<vmem>>
        %dma_start3A_839 = arith.constant 0 : i32
        %dma_start3A_840 = arith.constant 0 : i32
        %dma_start3A_841 = tpu.memref_slice %arg9[%dma_start3A_839, %dma_start3A_840] : memref<60032x16xf32, #tpu.memory_space<vmem_shared>> -> memref<60032x16xf32, #tpu.memory_space<vmem_shared>>
        tpu.enqueue_indirect_dma source(%arg8 : memref<128x16xf32, #tpu.memory_space<vmem>>) target(%dma_start3A_841 : memref<60032x16xf32, #tpu.memory_space<vmem_shared>>) offsets(%dma_start3A_838 : memref<128xi32, #tpu.memory_space<vmem>>) semaphore(%arg10 : memref<!tpu.dma_semaphore, #tpu.memory_space<semaphore_mem>>) {add = true}
        %dma_wait3A = arith.constant 0 : i32
        %dma_wait3A_842 = arith.constant 0 : i32
        %dma_wait3A_843 = tpu.memref_slice %arg7[%dma_wait3A, %dma_wait3A_842] : memref<8x128xi32, #tpu.memory_space<vmem>> -> memref<1x128xi32, #tpu.memory_space<vmem>>
        %dma_wait3A_844 = tpu.memref_squeeze %dma_wait3A_843 : memref<1x128xi32, #tpu.memory_space<vmem>> -> memref<128xi32, #tpu.memory_space<vmem>>
        %dma_wait3A_845 = arith.constant 0 : i32
        %dma_wait3A_846 = arith.constant 0 : i32
        %dma_wait3A_847 = tpu.memref_slice %arg9[%dma_wait3A_845, %dma_wait3A_846] : memref<60032x16xf32, #tpu.memory_space<vmem_shared>> -> memref<60032x16xf32, #tpu.memory_space<vmem_shared>>
        tpu.wait_indirect_dma semaphore(%arg10 : memref<!tpu.dma_semaphore, #tpu.memory_space<semaphore_mem>>) src(%arg8 : memref<128x16xf32, #tpu.memory_space<vmem>>) dst(%dma_wait3A_847 : memref<60032x16xf32, #tpu.memory_space<vmem_shared>>)
        %dma_wait3A_848 = arith.constant 1 : i32
        %dma_wait3A_849 = arith.constant 0 : i32
        %dma_wait3A_850 = tpu.memref_slice %arg7[%dma_wait3A_848, %dma_wait3A_849] : memref<8x128xi32, #tpu.memory_space<vmem>> -> memref<1x128xi32, #tpu.memory_space<vmem>>
        %dma_wait3A_851 = tpu.memref_squeeze %dma_wait3A_850 : memref<1x128xi32, #tpu.memory_space<vmem>> -> memref<128xi32, #tpu.memory_space<vmem>>
        %dma_wait3A_852 = arith.constant 0 : i32
        %dma_wait3A_853 = arith.constant 0 : i32
        %dma_wait3A_854 = tpu.memref_slice %arg9[%dma_wait3A_852, %dma_wait3A_853] : memref<60032x16xf32, #tpu.memory_space<vmem_shared>> -> memref<60032x16xf32, #tpu.memory_space<vmem_shared>>
        tpu.wait_indirect_dma semaphore(%arg10 : memref<!tpu.dma_semaphore, #tpu.memory_space<semaphore_mem>>) src(%arg8 : memref<128x16xf32, #tpu.memory_space<vmem>>) dst(%dma_wait3A_854 : memref<60032x16xf32, #tpu.memory_space<vmem_shared>>)
        %dma_wait3A_855 = arith.constant 2 : i32
        %dma_wait3A_856 = arith.constant 0 : i32
        %dma_wait3A_857 = tpu.memref_slice %arg7[%dma_wait3A_855, %dma_wait3A_856] : memref<8x128xi32, #tpu.memory_space<vmem>> -> memref<1x128xi32, #tpu.memory_space<vmem>>
        %dma_wait3A_858 = tpu.memref_squeeze %dma_wait3A_857 : memref<1x128xi32, #tpu.memory_space<vmem>> -> memref<128xi32, #tpu.memory_space<vmem>>
        %dma_wait3A_859 = arith.constant 0 : i32
        %dma_wait3A_860 = arith.constant 0 : i32
        %dma_wait3A_861 = tpu.memref_slice %arg9[%dma_wait3A_859, %dma_wait3A_860] : memref<60032x16xf32, #tpu.memory_space<vmem_shared>> -> memref<60032x16xf32, #tpu.memory_space<vmem_shared>>
        tpu.wait_indirect_dma semaphore(%arg10 : memref<!tpu.dma_semaphore, #tpu.memory_space<semaphore_mem>>) src(%arg8 : memref<128x16xf32, #tpu.memory_space<vmem>>) dst(%dma_wait3A_861 : memref<60032x16xf32, #tpu.memory_space<vmem_shared>>)
        %dma_wait3A_862 = arith.constant 3 : i32
        %dma_wait3A_863 = arith.constant 0 : i32
        %dma_wait3A_864 = tpu.memref_slice %arg7[%dma_wait3A_862, %dma_wait3A_863] : memref<8x128xi32, #tpu.memory_space<vmem>> -> memref<1x128xi32, #tpu.memory_space<vmem>>
        %dma_wait3A_865 = tpu.memref_squeeze %dma_wait3A_864 : memref<1x128xi32, #tpu.memory_space<vmem>> -> memref<128xi32, #tpu.memory_space<vmem>>
        %dma_wait3A_866 = arith.constant 0 : i32
        %dma_wait3A_867 = arith.constant 0 : i32
        %dma_wait3A_868 = tpu.memref_slice %arg9[%dma_wait3A_866, %dma_wait3A_867] : memref<60032x16xf32, #tpu.memory_space<vmem_shared>> -> memref<60032x16xf32, #tpu.memory_space<vmem_shared>>
        tpu.wait_indirect_dma semaphore(%arg10 : memref<!tpu.dma_semaphore, #tpu.memory_space<semaphore_mem>>) src(%arg8 : memref<128x16xf32, #tpu.memory_space<vmem>>) dst(%dma_wait3A_868 : memref<60032x16xf32, #tpu.memory_space<vmem_shared>>)
        %dma_wait3A_869 = arith.constant 4 : i32
        %dma_wait3A_870 = arith.constant 0 : i32
        %dma_wait3A_871 = tpu.memref_slice %arg7[%dma_wait3A_869, %dma_wait3A_870] : memref<8x128xi32, #tpu.memory_space<vmem>> -> memref<1x128xi32, #tpu.memory_space<vmem>>
        %dma_wait3A_872 = tpu.memref_squeeze %dma_wait3A_871 : memref<1x128xi32, #tpu.memory_space<vmem>> -> memref<128xi32, #tpu.memory_space<vmem>>
        %dma_wait3A_873 = arith.constant 0 : i32
        %dma_wait3A_874 = arith.constant 0 : i32
        %dma_wait3A_875 = tpu.memref_slice %arg9[%dma_wait3A_873, %dma_wait3A_874] : memref<60032x16xf32, #tpu.memory_space<vmem_shared>> -> memref<60032x16xf32, #tpu.memory_space<vmem_shared>>
        tpu.wait_indirect_dma semaphore(%arg10 : memref<!tpu.dma_semaphore, #tpu.memory_space<semaphore_mem>>) src(%arg8 : memref<128x16xf32, #tpu.memory_space<vmem>>) dst(%dma_wait3A_875 : memref<60032x16xf32, #tpu.memory_space<vmem_shared>>)
        %dma_wait3A_876 = arith.constant 5 : i32
        %dma_wait3A_877 = arith.constant 0 : i32
        %dma_wait3A_878 = tpu.memref_slice %arg7[%dma_wait3A_876, %dma_wait3A_877] : memref<8x128xi32, #tpu.memory_space<vmem>> -> memref<1x128xi32, #tpu.memory_space<vmem>>
        %dma_wait3A_879 = tpu.memref_squeeze %dma_wait3A_878 : memref<1x128xi32, #tpu.memory_space<vmem>> -> memref<128xi32, #tpu.memory_space<vmem>>
        %dma_wait3A_880 = arith.constant 0 : i32
        %dma_wait3A_881 = arith.constant 0 : i32
        %dma_wait3A_882 = tpu.memref_slice %arg9[%dma_wait3A_880, %dma_wait3A_881] : memref<60032x16xf32, #tpu.memory_space<vmem_shared>> -> memref<60032x16xf32, #tpu.memory_space<vmem_shared>>
        tpu.wait_indirect_dma semaphore(%arg10 : memref<!tpu.dma_semaphore, #tpu.memory_space<semaphore_mem>>) src(%arg8 : memref<128x16xf32, #tpu.memory_space<vmem>>) dst(%dma_wait3A_882 : memref<60032x16xf32, #tpu.memory_space<vmem_shared>>)
        %dma_wait3A_883 = arith.constant 6 : i32
        %dma_wait3A_884 = arith.constant 0 : i32
        %dma_wait3A_885 = tpu.memref_slice %arg7[%dma_wait3A_883, %dma_wait3A_884] : memref<8x128xi32, #tpu.memory_space<vmem>> -> memref<1x128xi32, #tpu.memory_space<vmem>>
        %dma_wait3A_886 = tpu.memref_squeeze %dma_wait3A_885 : memref<1x128xi32, #tpu.memory_space<vmem>> -> memref<128xi32, #tpu.memory_space<vmem>>
        %dma_wait3A_887 = arith.constant 0 : i32
        %dma_wait3A_888 = arith.constant 0 : i32
        %dma_wait3A_889 = tpu.memref_slice %arg9[%dma_wait3A_887, %dma_wait3A_888] : memref<60032x16xf32, #tpu.memory_space<vmem_shared>> -> memref<60032x16xf32, #tpu.memory_space<vmem_shared>>
        tpu.wait_indirect_dma semaphore(%arg10 : memref<!tpu.dma_semaphore, #tpu.memory_space<semaphore_mem>>) src(%arg8 : memref<128x16xf32, #tpu.memory_space<vmem>>) dst(%dma_wait3A_889 : memref<60032x16xf32, #tpu.memory_space<vmem_shared>>)
        %dma_wait3A_890 = arith.constant 7 : i32
        %dma_wait3A_891 = arith.constant 0 : i32
        %dma_wait3A_892 = tpu.memref_slice %arg7[%dma_wait3A_890, %dma_wait3A_891] : memref<8x128xi32, #tpu.memory_space<vmem>> -> memref<1x128xi32, #tpu.memory_space<vmem>>
        %dma_wait3A_893 = tpu.memref_squeeze %dma_wait3A_892 : memref<1x128xi32, #tpu.memory_space<vmem>> -> memref<128xi32, #tpu.memory_space<vmem>>
        %dma_wait3A_894 = arith.constant 0 : i32
        %dma_wait3A_895 = arith.constant 0 : i32
        %dma_wait3A_896 = tpu.memref_slice %arg9[%dma_wait3A_894, %dma_wait3A_895] : memref<60032x16xf32, #tpu.memory_space<vmem_shared>> -> memref<60032x16xf32, #tpu.memory_space<vmem_shared>>
        tpu.wait_indirect_dma semaphore(%arg10 : memref<!tpu.dma_semaphore, #tpu.memory_space<semaphore_mem>>) src(%arg8 : memref<128x16xf32, #tpu.memory_space<vmem>>) dst(%dma_wait3A_896 : memref<60032x16xf32, #tpu.memory_space<vmem_shared>>)
      }
      %scan3A_780 = arith.constant 59 : i32
      %barrier3A_781 = arith.constant 0 : index
      tpu.barrier barrier_id(%barrier3A_781)
      "tpu.region"() ({
        %run_scoped3A = tpu.sem_alloc : memref<!tpu.dma_semaphore, #tpu.memory_space<semaphore_mem>>
        %dma_start3A = arith.constant 0 : i32
        %dma_start3A_782 = tpu.memref_slice %arg5[%mul3A_0, %dma_start3A] : memref<60032x16xf32, #tpu.memory_space<hbm>> -> memref<3752x16xf32, #tpu.memory_space<hbm>>
        %dma_start3A_783 = arith.constant 0 : i32
        %dma_start3A_784 = tpu.memref_slice %arg9[%mul3A_0, %dma_start3A_783] : memref<60032x16xf32, #tpu.memory_space<vmem_shared>> -> memref<3752x16xf32, #tpu.memory_space<vmem_shared>>
        tpu.enqueue_dma source(%dma_start3A_784 : memref<3752x16xf32, #tpu.memory_space<vmem_shared>>) target(%dma_start3A_782 : memref<3752x16xf32, #tpu.memory_space<hbm>>) target_semaphore(%run_scoped3A : memref<!tpu.dma_semaphore, #tpu.memory_space<semaphore_mem>>)
        %dma_wait3A = arith.constant 0 : i32
        %dma_wait3A_785 = tpu.memref_slice %arg5[%mul3A_0, %dma_wait3A] : memref<60032x16xf32, #tpu.memory_space<hbm>> -> memref<3752x16xf32, #tpu.memory_space<hbm>>
        %dma_wait3A_786 = arith.constant 0 : i32
        %dma_wait3A_787 = tpu.memref_slice %arg9[%mul3A_0, %dma_wait3A_786] : memref<60032x16xf32, #tpu.memory_space<vmem_shared>> -> memref<3752x16xf32, #tpu.memory_space<vmem_shared>>
        tpu.wait_dma2 semaphore(%run_scoped3A : memref<!tpu.dma_semaphore, #tpu.memory_space<semaphore_mem>>) src(%dma_wait3A_787 : memref<3752x16xf32, #tpu.memory_space<vmem_shared>>) dst(%dma_wait3A_785 : memref<3752x16xf32, #tpu.memory_space<hbm>>)
        tpu.yield
      }) : () -> ()
    } else {
    }
    %eq3A_771 = arith.constant 1 : i32
    %eq3A_772 = arith.cmpi eq, %arg0, %eq3A_771 : i32
    %convert_element_type3A_773 = arith.extui %eq3A_772 : i1 to i32
    %cond3A_774 = arith.constant 0 : i32
    %cond3A_775 = arith.cmpi ne, %convert_element_type3A_773, %cond3A_774 : i32
    scf.if %cond3A_775 {
      %scan3A = arith.constant 0 : i32
      %scan3A_776 = arith.constant 0 : i32
      %scan3A_777 = arith.constant 59 : i32
      %scan3A_778 = arith.addi %scan3A_776, %scan3A_777 : i32
      %scan3A_779 = arith.constant 1 : i32
      scf.for %scan3A_782 = %scan3A_776 to %scan3A_778 step %scan3A_779  : i32 {
        %mul3A_783 = arith.constant 472 : i32
        %mul3A_784 = arith.muli %arg1, %mul3A_783 : i32
        %mul3A_785 = arith.constant 8 : i32
        %mul3A_786 = arith.muli %scan3A_782, %mul3A_785 : i32
        %add3A = arith.addi %mul3A_784, %mul3A_786 : i32
        "tpu.region"() ({
          %run_scoped3A = tpu.sem_alloc : memref<!tpu.dma_semaphore, #tpu.memory_space<semaphore_mem>>
          %dma_start3A_897 = arith.constant 0 : i32
          %dma_start3A_898 = tpu.memref_slice %arg3[%add3A, %dma_start3A_897] : memref<7552x128xi32, #tpu.memory_space<hbm>> -> memref<8x128xi32, #tpu.memory_space<hbm>>
          %dma_start3A_899 = arith.constant 0 : i32
          %dma_start3A_900 = tpu.memref_slice %arg3[%add3A, %dma_start3A_899] : memref<7552x128xi32, #tpu.memory_space<hbm>> -> memref<8x128xi32, #tpu.memory_space<hbm>>
          tpu.enqueue_dma source(%dma_start3A_900 : memref<8x128xi32, #tpu.memory_space<hbm>>) target(%arg7 : memref<8x128xi32, #tpu.memory_space<vmem>>) target_semaphore(%run_scoped3A : memref<!tpu.dma_semaphore, #tpu.memory_space<semaphore_mem>>)
          %dma_wait3A_901 = arith.constant 0 : i32
          %dma_wait3A_902 = tpu.memref_slice %arg3[%add3A, %dma_wait3A_901] : memref<7552x128xi32, #tpu.memory_space<hbm>> -> memref<8x128xi32, #tpu.memory_space<hbm>>
          %dma_wait3A_903 = arith.constant 0 : i32
          %dma_wait3A_904 = tpu.memref_slice %arg3[%add3A, %dma_wait3A_903] : memref<7552x128xi32, #tpu.memory_space<hbm>> -> memref<8x128xi32, #tpu.memory_space<hbm>>
          tpu.wait_dma2 semaphore(%run_scoped3A : memref<!tpu.dma_semaphore, #tpu.memory_space<semaphore_mem>>) src(%dma_wait3A_904 : memref<8x128xi32, #tpu.memory_space<hbm>>) dst(%arg7 : memref<8x128xi32, #tpu.memory_space<vmem>>)
          tpu.yield
        }) : () -> ()
        %dma_start3A = arith.constant 0 : i32
        %dma_start3A_787 = arith.constant 0 : i32
        %dma_start3A_788 = tpu.memref_slice %arg7[%dma_start3A, %dma_start3A_787] : memref<8x128xi32, #tpu.memory_space<vmem>> -> memref<1x128xi32, #tpu.memory_space<vmem>>
        %dma_start3A_789 = tpu.memref_squeeze %dma_start3A_788 : memref<1x128xi32, #tpu.memory_space<vmem>> -> memref<128xi32, #tpu.memory_space<vmem>>
        %dma_start3A_790 = arith.constant 0 : i32
        %dma_start3A_791 = arith.constant 0 : i32
        %dma_start3A_792 = tpu.memref_slice %arg9[%dma_start3A_790, %dma_start3A_791] : memref<60032x16xf32, #tpu.memory_space<vmem_shared>> -> memref<60032x16xf32, #tpu.memory_space<vmem_shared>>
        tpu.enqueue_indirect_dma source(%arg8 : memref<128x16xf32, #tpu.memory_space<vmem>>) target(%dma_start3A_792 : memref<60032x16xf32, #tpu.memory_space<vmem_shared>>) offsets(%dma_start3A_789 : memref<128xi32, #tpu.memory_space<vmem>>) semaphore(%arg10 : memref<!tpu.dma_semaphore, #tpu.memory_space<semaphore_mem>>) {add = true}
        %dma_start3A_793 = arith.constant 1 : i32
        %dma_start3A_794 = arith.constant 0 : i32
        %dma_start3A_795 = tpu.memref_slice %arg7[%dma_start3A_793, %dma_start3A_794] : memref<8x128xi32, #tpu.memory_space<vmem>> -> memref<1x128xi32, #tpu.memory_space<vmem>>
        %dma_start3A_796 = tpu.memref_squeeze %dma_start3A_795 : memref<1x128xi32, #tpu.memory_space<vmem>> -> memref<128xi32, #tpu.memory_space<vmem>>
        %dma_start3A_797 = arith.constant 0 : i32
        %dma_start3A_798 = arith.constant 0 : i32
        %dma_start3A_799 = tpu.memref_slice %arg9[%dma_start3A_797, %dma_start3A_798] : memref<60032x16xf32, #tpu.memory_space<vmem_shared>> -> memref<60032x16xf32, #tpu.memory_space<vmem_shared>>
        tpu.enqueue_indirect_dma source(%arg8 : memref<128x16xf32, #tpu.memory_space<vmem>>) target(%dma_start3A_799 : memref<60032x16xf32, #tpu.memory_space<vmem_shared>>) offsets(%dma_start3A_796 : memref<128xi32, #tpu.memory_space<vmem>>) semaphore(%arg10 : memref<!tpu.dma_semaphore, #tpu.memory_space<semaphore_mem>>) {add = true}
        %dma_start3A_800 = arith.constant 2 : i32
        %dma_start3A_801 = arith.constant 0 : i32
        %dma_start3A_802 = tpu.memref_slice %arg7[%dma_start3A_800, %dma_start3A_801] : memref<8x128xi32, #tpu.memory_space<vmem>> -> memref<1x128xi32, #tpu.memory_space<vmem>>
        %dma_start3A_803 = tpu.memref_squeeze %dma_start3A_802 : memref<1x128xi32, #tpu.memory_space<vmem>> -> memref<128xi32, #tpu.memory_space<vmem>>
        %dma_start3A_804 = arith.constant 0 : i32
        %dma_start3A_805 = arith.constant 0 : i32
        %dma_start3A_806 = tpu.memref_slice %arg9[%dma_start3A_804, %dma_start3A_805] : memref<60032x16xf32, #tpu.memory_space<vmem_shared>> -> memref<60032x16xf32, #tpu.memory_space<vmem_shared>>
        tpu.enqueue_indirect_dma source(%arg8 : memref<128x16xf32, #tpu.memory_space<vmem>>) target(%dma_start3A_806 : memref<60032x16xf32, #tpu.memory_space<vmem_shared>>) offsets(%dma_start3A_803 : memref<128xi32, #tpu.memory_space<vmem>>) semaphore(%arg10 : memref<!tpu.dma_semaphore, #tpu.memory_space<semaphore_mem>>) {add = true}
        %dma_start3A_807 = arith.constant 3 : i32
        %dma_start3A_808 = arith.constant 0 : i32
        %dma_start3A_809 = tpu.memref_slice %arg7[%dma_start3A_807, %dma_start3A_808] : memref<8x128xi32, #tpu.memory_space<vmem>> -> memref<1x128xi32, #tpu.memory_space<vmem>>
        %dma_start3A_810 = tpu.memref_squeeze %dma_start3A_809 : memref<1x128xi32, #tpu.memory_space<vmem>> -> memref<128xi32, #tpu.memory_space<vmem>>
        %dma_start3A_811 = arith.constant 0 : i32
        %dma_start3A_812 = arith.constant 0 : i32
        %dma_start3A_813 = tpu.memref_slice %arg9[%dma_start3A_811, %dma_start3A_812] : memref<60032x16xf32, #tpu.memory_space<vmem_shared>> -> memref<60032x16xf32, #tpu.memory_space<vmem_shared>>
        tpu.enqueue_indirect_dma source(%arg8 : memref<128x16xf32, #tpu.memory_space<vmem>>) target(%dma_start3A_813 : memref<60032x16xf32, #tpu.memory_space<vmem_shared>>) offsets(%dma_start3A_810 : memref<128xi32, #tpu.memory_space<vmem>>) semaphore(%arg10 : memref<!tpu.dma_semaphore, #tpu.memory_space<semaphore_mem>>) {add = true}
        %dma_start3A_814 = arith.constant 4 : i32
        %dma_start3A_815 = arith.constant 0 : i32
        %dma_start3A_816 = tpu.memref_slice %arg7[%dma_start3A_814, %dma_start3A_815] : memref<8x128xi32, #tpu.memory_space<vmem>> -> memref<1x128xi32, #tpu.memory_space<vmem>>
        %dma_start3A_817 = tpu.memref_squeeze %dma_start3A_816 : memref<1x128xi32, #tpu.memory_space<vmem>> -> memref<128xi32, #tpu.memory_space<vmem>>
        %dma_start3A_818 = arith.constant 0 : i32
        %dma_start3A_819 = arith.constant 0 : i32
        %dma_start3A_820 = tpu.memref_slice %arg9[%dma_start3A_818, %dma_start3A_819] : memref<60032x16xf32, #tpu.memory_space<vmem_shared>> -> memref<60032x16xf32, #tpu.memory_space<vmem_shared>>
        tpu.enqueue_indirect_dma source(%arg8 : memref<128x16xf32, #tpu.memory_space<vmem>>) target(%dma_start3A_820 : memref<60032x16xf32, #tpu.memory_space<vmem_shared>>) offsets(%dma_start3A_817 : memref<128xi32, #tpu.memory_space<vmem>>) semaphore(%arg10 : memref<!tpu.dma_semaphore, #tpu.memory_space<semaphore_mem>>) {add = true}
        %dma_start3A_821 = arith.constant 5 : i32
        %dma_start3A_822 = arith.constant 0 : i32
        %dma_start3A_823 = tpu.memref_slice %arg7[%dma_start3A_821, %dma_start3A_822] : memref<8x128xi32, #tpu.memory_space<vmem>> -> memref<1x128xi32, #tpu.memory_space<vmem>>
        %dma_start3A_824 = tpu.memref_squeeze %dma_start3A_823 : memref<1x128xi32, #tpu.memory_space<vmem>> -> memref<128xi32, #tpu.memory_space<vmem>>
        %dma_start3A_825 = arith.constant 0 : i32
        %dma_start3A_826 = arith.constant 0 : i32
        %dma_start3A_827 = tpu.memref_slice %arg9[%dma_start3A_825, %dma_start3A_826] : memref<60032x16xf32, #tpu.memory_space<vmem_shared>> -> memref<60032x16xf32, #tpu.memory_space<vmem_shared>>
        tpu.enqueue_indirect_dma source(%arg8 : memref<128x16xf32, #tpu.memory_space<vmem>>) target(%dma_start3A_827 : memref<60032x16xf32, #tpu.memory_space<vmem_shared>>) offsets(%dma_start3A_824 : memref<128xi32, #tpu.memory_space<vmem>>) semaphore(%arg10 : memref<!tpu.dma_semaphore, #tpu.memory_space<semaphore_mem>>) {add = true}
        %dma_start3A_828 = arith.constant 6 : i32
        %dma_start3A_829 = arith.constant 0 : i32
        %dma_start3A_830 = tpu.memref_slice %arg7[%dma_start3A_828, %dma_start3A_829] : memref<8x128xi32, #tpu.memory_space<vmem>> -> memref<1x128xi32, #tpu.memory_space<vmem>>
        %dma_start3A_831 = tpu.memref_squeeze %dma_start3A_830 : memref<1x128xi32, #tpu.memory_space<vmem>> -> memref<128xi32, #tpu.memory_space<vmem>>
        %dma_start3A_832 = arith.constant 0 : i32
        %dma_start3A_833 = arith.constant 0 : i32
        %dma_start3A_834 = tpu.memref_slice %arg9[%dma_start3A_832, %dma_start3A_833] : memref<60032x16xf32, #tpu.memory_space<vmem_shared>> -> memref<60032x16xf32, #tpu.memory_space<vmem_shared>>
        tpu.enqueue_indirect_dma source(%arg8 : memref<128x16xf32, #tpu.memory_space<vmem>>) target(%dma_start3A_834 : memref<60032x16xf32, #tpu.memory_space<vmem_shared>>) offsets(%dma_start3A_831 : memref<128xi32, #tpu.memory_space<vmem>>) semaphore(%arg10 : memref<!tpu.dma_semaphore, #tpu.memory_space<semaphore_mem>>) {add = true}
        %dma_start3A_835 = arith.constant 7 : i32
        %dma_start3A_836 = arith.constant 0 : i32
        %dma_start3A_837 = tpu.memref_slice %arg7[%dma_start3A_835, %dma_start3A_836] : memref<8x128xi32, #tpu.memory_space<vmem>> -> memref<1x128xi32, #tpu.memory_space<vmem>>
        %dma_start3A_838 = tpu.memref_squeeze %dma_start3A_837 : memref<1x128xi32, #tpu.memory_space<vmem>> -> memref<128xi32, #tpu.memory_space<vmem>>
        %dma_start3A_839 = arith.constant 0 : i32
        %dma_start3A_840 = arith.constant 0 : i32
        %dma_start3A_841 = tpu.memref_slice %arg9[%dma_start3A_839, %dma_start3A_840] : memref<60032x16xf32, #tpu.memory_space<vmem_shared>> -> memref<60032x16xf32, #tpu.memory_space<vmem_shared>>
        tpu.enqueue_indirect_dma source(%arg8 : memref<128x16xf32, #tpu.memory_space<vmem>>) target(%dma_start3A_841 : memref<60032x16xf32, #tpu.memory_space<vmem_shared>>) offsets(%dma_start3A_838 : memref<128xi32, #tpu.memory_space<vmem>>) semaphore(%arg10 : memref<!tpu.dma_semaphore, #tpu.memory_space<semaphore_mem>>) {add = true}
        %dma_wait3A = arith.constant 0 : i32
        %dma_wait3A_842 = arith.constant 0 : i32
        %dma_wait3A_843 = tpu.memref_slice %arg7[%dma_wait3A, %dma_wait3A_842] : memref<8x128xi32, #tpu.memory_space<vmem>> -> memref<1x128xi32, #tpu.memory_space<vmem>>
        %dma_wait3A_844 = tpu.memref_squeeze %dma_wait3A_843 : memref<1x128xi32, #tpu.memory_space<vmem>> -> memref<128xi32, #tpu.memory_space<vmem>>
        %dma_wait3A_845 = arith.constant 0 : i32
        %dma_wait3A_846 = arith.constant 0 : i32
        %dma_wait3A_847 = tpu.memref_slice %arg9[%dma_wait3A_845, %dma_wait3A_846] : memref<60032x16xf32, #tpu.memory_space<vmem_shared>> -> memref<60032x16xf32, #tpu.memory_space<vmem_shared>>
        tpu.wait_indirect_dma semaphore(%arg10 : memref<!tpu.dma_semaphore, #tpu.memory_space<semaphore_mem>>) src(%arg8 : memref<128x16xf32, #tpu.memory_space<vmem>>) dst(%dma_wait3A_847 : memref<60032x16xf32, #tpu.memory_space<vmem_shared>>)
        %dma_wait3A_848 = arith.constant 1 : i32
        %dma_wait3A_849 = arith.constant 0 : i32
        %dma_wait3A_850 = tpu.memref_slice %arg7[%dma_wait3A_848, %dma_wait3A_849] : memref<8x128xi32, #tpu.memory_space<vmem>> -> memref<1x128xi32, #tpu.memory_space<vmem>>
        %dma_wait3A_851 = tpu.memref_squeeze %dma_wait3A_850 : memref<1x128xi32, #tpu.memory_space<vmem>> -> memref<128xi32, #tpu.memory_space<vmem>>
        %dma_wait3A_852 = arith.constant 0 : i32
        %dma_wait3A_853 = arith.constant 0 : i32
        %dma_wait3A_854 = tpu.memref_slice %arg9[%dma_wait3A_852, %dma_wait3A_853] : memref<60032x16xf32, #tpu.memory_space<vmem_shared>> -> memref<60032x16xf32, #tpu.memory_space<vmem_shared>>
        tpu.wait_indirect_dma semaphore(%arg10 : memref<!tpu.dma_semaphore, #tpu.memory_space<semaphore_mem>>) src(%arg8 : memref<128x16xf32, #tpu.memory_space<vmem>>) dst(%dma_wait3A_854 : memref<60032x16xf32, #tpu.memory_space<vmem_shared>>)
        %dma_wait3A_855 = arith.constant 2 : i32
        %dma_wait3A_856 = arith.constant 0 : i32
        %dma_wait3A_857 = tpu.memref_slice %arg7[%dma_wait3A_855, %dma_wait3A_856] : memref<8x128xi32, #tpu.memory_space<vmem>> -> memref<1x128xi32, #tpu.memory_space<vmem>>
        %dma_wait3A_858 = tpu.memref_squeeze %dma_wait3A_857 : memref<1x128xi32, #tpu.memory_space<vmem>> -> memref<128xi32, #tpu.memory_space<vmem>>
        %dma_wait3A_859 = arith.constant 0 : i32
        %dma_wait3A_860 = arith.constant 0 : i32
        %dma_wait3A_861 = tpu.memref_slice %arg9[%dma_wait3A_859, %dma_wait3A_860] : memref<60032x16xf32, #tpu.memory_space<vmem_shared>> -> memref<60032x16xf32, #tpu.memory_space<vmem_shared>>
        tpu.wait_indirect_dma semaphore(%arg10 : memref<!tpu.dma_semaphore, #tpu.memory_space<semaphore_mem>>) src(%arg8 : memref<128x16xf32, #tpu.memory_space<vmem>>) dst(%dma_wait3A_861 : memref<60032x16xf32, #tpu.memory_space<vmem_shared>>)
        %dma_wait3A_862 = arith.constant 3 : i32
        %dma_wait3A_863 = arith.constant 0 : i32
        %dma_wait3A_864 = tpu.memref_slice %arg7[%dma_wait3A_862, %dma_wait3A_863] : memref<8x128xi32, #tpu.memory_space<vmem>> -> memref<1x128xi32, #tpu.memory_space<vmem>>
        %dma_wait3A_865 = tpu.memref_squeeze %dma_wait3A_864 : memref<1x128xi32, #tpu.memory_space<vmem>> -> memref<128xi32, #tpu.memory_space<vmem>>
        %dma_wait3A_866 = arith.constant 0 : i32
        %dma_wait3A_867 = arith.constant 0 : i32
        %dma_wait3A_868 = tpu.memref_slice %arg9[%dma_wait3A_866, %dma_wait3A_867] : memref<60032x16xf32, #tpu.memory_space<vmem_shared>> -> memref<60032x16xf32, #tpu.memory_space<vmem_shared>>
        tpu.wait_indirect_dma semaphore(%arg10 : memref<!tpu.dma_semaphore, #tpu.memory_space<semaphore_mem>>) src(%arg8 : memref<128x16xf32, #tpu.memory_space<vmem>>) dst(%dma_wait3A_868 : memref<60032x16xf32, #tpu.memory_space<vmem_shared>>)
        %dma_wait3A_869 = arith.constant 4 : i32
        %dma_wait3A_870 = arith.constant 0 : i32
        %dma_wait3A_871 = tpu.memref_slice %arg7[%dma_wait3A_869, %dma_wait3A_870] : memref<8x128xi32, #tpu.memory_space<vmem>> -> memref<1x128xi32, #tpu.memory_space<vmem>>
        %dma_wait3A_872 = tpu.memref_squeeze %dma_wait3A_871 : memref<1x128xi32, #tpu.memory_space<vmem>> -> memref<128xi32, #tpu.memory_space<vmem>>
        %dma_wait3A_873 = arith.constant 0 : i32
        %dma_wait3A_874 = arith.constant 0 : i32
        %dma_wait3A_875 = tpu.memref_slice %arg9[%dma_wait3A_873, %dma_wait3A_874] : memref<60032x16xf32, #tpu.memory_space<vmem_shared>> -> memref<60032x16xf32, #tpu.memory_space<vmem_shared>>
        tpu.wait_indirect_dma semaphore(%arg10 : memref<!tpu.dma_semaphore, #tpu.memory_space<semaphore_mem>>) src(%arg8 : memref<128x16xf32, #tpu.memory_space<vmem>>) dst(%dma_wait3A_875 : memref<60032x16xf32, #tpu.memory_space<vmem_shared>>)
        %dma_wait3A_876 = arith.constant 5 : i32
        %dma_wait3A_877 = arith.constant 0 : i32
        %dma_wait3A_878 = tpu.memref_slice %arg7[%dma_wait3A_876, %dma_wait3A_877] : memref<8x128xi32, #tpu.memory_space<vmem>> -> memref<1x128xi32, #tpu.memory_space<vmem>>
        %dma_wait3A_879 = tpu.memref_squeeze %dma_wait3A_878 : memref<1x128xi32, #tpu.memory_space<vmem>> -> memref<128xi32, #tpu.memory_space<vmem>>
        %dma_wait3A_880 = arith.constant 0 : i32
        %dma_wait3A_881 = arith.constant 0 : i32
        %dma_wait3A_882 = tpu.memref_slice %arg9[%dma_wait3A_880, %dma_wait3A_881] : memref<60032x16xf32, #tpu.memory_space<vmem_shared>> -> memref<60032x16xf32, #tpu.memory_space<vmem_shared>>
        tpu.wait_indirect_dma semaphore(%arg10 : memref<!tpu.dma_semaphore, #tpu.memory_space<semaphore_mem>>) src(%arg8 : memref<128x16xf32, #tpu.memory_space<vmem>>) dst(%dma_wait3A_882 : memref<60032x16xf32, #tpu.memory_space<vmem_shared>>)
        %dma_wait3A_883 = arith.constant 6 : i32
        %dma_wait3A_884 = arith.constant 0 : i32
        %dma_wait3A_885 = tpu.memref_slice %arg7[%dma_wait3A_883, %dma_wait3A_884] : memref<8x128xi32, #tpu.memory_space<vmem>> -> memref<1x128xi32, #tpu.memory_space<vmem>>
        %dma_wait3A_886 = tpu.memref_squeeze %dma_wait3A_885 : memref<1x128xi32, #tpu.memory_space<vmem>> -> memref<128xi32, #tpu.memory_space<vmem>>
        %dma_wait3A_887 = arith.constant 0 : i32
        %dma_wait3A_888 = arith.constant 0 : i32
        %dma_wait3A_889 = tpu.memref_slice %arg9[%dma_wait3A_887, %dma_wait3A_888] : memref<60032x16xf32, #tpu.memory_space<vmem_shared>> -> memref<60032x16xf32, #tpu.memory_space<vmem_shared>>
        tpu.wait_indirect_dma semaphore(%arg10 : memref<!tpu.dma_semaphore, #tpu.memory_space<semaphore_mem>>) src(%arg8 : memref<128x16xf32, #tpu.memory_space<vmem>>) dst(%dma_wait3A_889 : memref<60032x16xf32, #tpu.memory_space<vmem_shared>>)
        %dma_wait3A_890 = arith.constant 7 : i32
        %dma_wait3A_891 = arith.constant 0 : i32
        %dma_wait3A_892 = tpu.memref_slice %arg7[%dma_wait3A_890, %dma_wait3A_891] : memref<8x128xi32, #tpu.memory_space<vmem>> -> memref<1x128xi32, #tpu.memory_space<vmem>>
        %dma_wait3A_893 = tpu.memref_squeeze %dma_wait3A_892 : memref<1x128xi32, #tpu.memory_space<vmem>> -> memref<128xi32, #tpu.memory_space<vmem>>
        %dma_wait3A_894 = arith.constant 0 : i32
        %dma_wait3A_895 = arith.constant 0 : i32
        %dma_wait3A_896 = tpu.memref_slice %arg9[%dma_wait3A_894, %dma_wait3A_895] : memref<60032x16xf32, #tpu.memory_space<vmem_shared>> -> memref<60032x16xf32, #tpu.memory_space<vmem_shared>>
        tpu.wait_indirect_dma semaphore(%arg10 : memref<!tpu.dma_semaphore, #tpu.memory_space<semaphore_mem>>) src(%arg8 : memref<128x16xf32, #tpu.memory_space<vmem>>) dst(%dma_wait3A_896 : memref<60032x16xf32, #tpu.memory_space<vmem_shared>>)
      }
      %scan3A_780 = arith.constant 59 : i32
      %barrier3A_781 = arith.constant 0 : index
      tpu.barrier barrier_id(%barrier3A_781)
      "tpu.region"() ({
        %run_scoped3A = tpu.sem_alloc : memref<!tpu.dma_semaphore, #tpu.memory_space<semaphore_mem>>
        %dma_start3A = arith.constant 0 : i32
        %dma_start3A_782 = tpu.memref_slice %arg6[%mul3A_0, %dma_start3A] : memref<60032x16xf32, #tpu.memory_space<hbm>> -> memref<3752x16xf32, #tpu.memory_space<hbm>>
        %dma_start3A_783 = arith.constant 0 : i32
        %dma_start3A_784 = tpu.memref_slice %arg9[%mul3A_0, %dma_start3A_783] : memref<60032x16xf32, #tpu.memory_space<vmem_shared>> -> memref<3752x16xf32, #tpu.memory_space<vmem_shared>>
        tpu.enqueue_dma source(%dma_start3A_784 : memref<3752x16xf32, #tpu.memory_space<vmem_shared>>) target(%dma_start3A_782 : memref<3752x16xf32, #tpu.memory_space<hbm>>) target_semaphore(%run_scoped3A : memref<!tpu.dma_semaphore, #tpu.memory_space<semaphore_mem>>)
        %dma_wait3A = arith.constant 0 : i32
        %dma_wait3A_785 = tpu.memref_slice %arg6[%mul3A_0, %dma_wait3A] : memref<60032x16xf32, #tpu.memory_space<hbm>> -> memref<3752x16xf32, #tpu.memory_space<hbm>>
        %dma_wait3A_786 = arith.constant 0 : i32
        %dma_wait3A_787 = tpu.memref_slice %arg9[%mul3A_0, %dma_wait3A_786] : memref<60032x16xf32, #tpu.memory_space<vmem_shared>> -> memref<3752x16xf32, #tpu.memory_space<vmem_shared>>
        tpu.wait_dma2 semaphore(%run_scoped3A : memref<!tpu.dma_semaphore, #tpu.memory_space<semaphore_mem>>) src(%dma_wait3A_787 : memref<3752x16xf32, #tpu.memory_space<vmem_shared>>) dst(%dma_wait3A_785 : memref<3752x16xf32, #tpu.memory_space<hbm>>)
        tpu.yield
      }) : () -> ()
    } else {
    }
    return
  }
}

</mosaic_0001>

<sc_bundles>
// kernel: _sc_degrees.3.cloned.1.call-start
scs
__scs_entry_jumppad:
0x0: {  	(pc) =	sbr.rel $0x88, $3  }
0x1: {  	(tag) =	ssettag $0x0;
	lr =	simm.s32 $0x1  }
0x2: {  	[smem:$0x3F9E] =	sst lr;
	_ =	strace $0xD0000000  }
0x3: {  	_ = 	snop  }
0x4: {  	_ = 	snop  }
0x5: {  	_ = 	snop  }
0x6: {  	_ = 	snop  }
0x7: {  	_ = 	snop  }
__scs_overlays_trampoline_lowered:
0x8: {  	[smem:$0x3FAD] =	sst s0  }
0x9: {  	[smem:$0x3FAE] =	sst s1  }
0xa: {  	[smem:$0x3FAF] =	sst s2  }
0xb: {  	[smem:$0x3FB0] =	sst s3  }
0xc: {  	[smem:$0x3FB1] =	sst s4  }
0xd: {  	[smem:$0x3FB2] =	sst s5  }
0xe: {  	[smem:$0x3FB3] =	sst s6  }
0xf: {  	[smem:$0x3FB4] =	sst s7  }
0x10: {  	[smem:$0x3FB5] =	sst s8  }
0x11: {  	[smem:$0x3FB6] =	sst s9;
	s0 =	simm.s32 @!p0 $0x0  }
0x12: {  	s1 =	sld [smem:$0x3F9C];
	s0 =	simm.s32 @p0 $0x1  }
0x13: {  	[smem:$0x3FB7] =	sst s0;
	s0 =	simm.s32 @!p1 $0x0  }
0x14: {  	s2 =	sld [smem:$0x3F9B];
	s0 =	simm.s32 @p1 $0x1  }
0x15: {  	[smem:$0x3FB8] =	sst s0;
	s0 =	simm.s32 @!p2 $0x0  }
0x16: {  	s3 =	sld [smem:$0x3FDB];
	s0 =	simm.s32 @p2 $0x1  }
0x17: {  	s4 =	simm.s32 $0x1BF5;
	[smem:$0x3FBA] =	sst s0  }
0x18: {  	s0 =	sld [smem:$0x3F9D];
	_ =	swait.ge [sflag:s4], $0x0  }
0x19: {  	s7 =	sld [smem:$0x3F9E]  }
0x1a: {  	s8 =	sadd.s32 $0xFFFFE003, lr  }
0x1b: {  	s9 =	sadd.s32 $0xFFFFFEF7, lr;
	s5 =	simm.s32 $0xFFFFFFFF;
	p2 =	slt.u32 s8, $0xFFFFF086  }
0x1c: {  	p1 =	slt.u32 s9, $0xF7A;
	s5 =	simm.s32 @!p2 $0x0  }
0x1d: {  	s5 =	simm.s32 @p1 $0x1;
	p0 =	seq.s32 s7, s2  }
0x1e: {  	s7 =	smul.u32 @!p0 $0xF7A, s2;
	p2 =	seq.s32 @!p0 s5, $0x0  }
0x1f: {  	s9 =	smul.u32 $0xF7A, s1;
	s8 =	simm.s32 @!p0 $0x1BF5;
	p2 =	por !p2, p0  }
0x20: {  	[sflag:s8] =	ssyncset.s32 @!p0 $0xFFFFF086;
	s6 =	sadd.s32 @!p0 s3, s7;
	s7 =	simm.s32 @!p0 $0x108  }
0x21: {  	s3 =	sadd.s32 s3, s9;
	s6 =	sadd.s32 @!p0 $0x88, s6;
	s7 =	simm.s32 @p2 $0x1082  }
0x22: {  	[simem:s7], [sflag:s8] =	dma.local @!p0 [hbm:s6], $0xF7A  }
0x23: {  	s9 =	sor.u32 $0xD0000000, s2;
	s6 =	simm.s32 $0x108;
	_ =	swait.ge @!p0 [sflag:s8], $0x0  }
0x24: {  	s3 =	sadd.s32 $0x88, s3;
	s6 =	simm.s32 @!p1 $0x1082;
	[sflag:s4] =	ssyncset.s32 $0xFFFFF086  }
0x25: {  	[simem:s6], [sflag:s4] =	dma.local [hbm:s3], $0xF7A  }
0x26: {  	[smem:$0x3F9E] =	sst s1;
	(tag) =	ssettag s2;
	_ =	strace s9  }
0x27: {  	s1 =	sld [smem:$0x3FAE]  }
0x28: {  	s2 =	sld [smem:$0x3FAF]  }
0x29: {  	s4 =	sld [smem:$0x3FB1]  }
0x2a: {  	p0 =	seq.s32 s5, $0x0;
	s5 =	sld [smem:$0x3FB2]  }
0x2b: {  	s6 =	sld [smem:$0x3FB3]  }
0x2c: {  	s7 =	sld [smem:$0x3FB4]  }
0x2d: {  	s3 =	simm.s32 $0x108;
	s8 =	sld [smem:$0x3FB5]  }
0x2e: {  	s3 =	simm.s32 @!p0 $0x1082;
	s9 =	sld [smem:$0x3FB6]  }
0x2f: {  	lr =	sadd.s32 s0, s3;
	s0 =	sld [smem:$0x3FAD]  }
0x30: {  	s3 =	sld [smem:$0x3FB0]  }
0x31: {  	[smem:$0x3FB9] =	sst s10  }
0x32: {  	s10 =	sld [smem:$0x3FB7];
	_ =	sdelay $0x3  }
0x33: {  	p0 =	seq.s32 s10, $0x1;
	s10 =	sld [smem:$0x3FB9];
	_ =	sdelay $0x3  }
0x34: {  	[smem:$0x3FB9] =	sst s10  }
0x35: {  	s10 =	sld [smem:$0x3FB8];
	_ =	sdelay $0x3  }
0x36: {  	p1 =	seq.s32 s10, $0x1;
	s10 =	sld [smem:$0x3FB9];
	_ =	sdelay $0x3  }
0x37: {  	[smem:$0x3FB9] =	sst s10  }
0x38: {  	s10 =	sld [smem:$0x3FBA]  }
0x39: {  	_ = 	snop;
	(pc) =	sbr.ind lr, $3  }
0x3a: {  	_ = 	snop  }
0x3b: {  	_ = 	snop  }
0x3c: {  	p2 =	seq.s32 s10, $0x1;
	s10 =	sld [smem:$0x3FB9]  }
0x3d: {  	_ =	shalt  }
0x3e: {  	_ =	shalt  }
0x3f: {  	_ =	shalt  }
0x40: {  	_ =	shalt  }
0x41: {  	_ =	shalt  }
0x42: {  	_ =	shalt  }
0x43: {  	_ =	shalt  }
0x44: {  	_ =	shalt  }
0x45: {  	_ =	shalt  }
0x46: {  	_ =	shalt  }
0x47: {  	_ =	shalt  }
0x48: {  	_ =	shalt  }
0x49: {  	_ =	shalt  }
0x4a: {  	_ =	shalt  }
0x4b: {  	_ =	shalt  }
0x4c: {  	_ =	shalt  }
0x4d: {  	_ =	shalt  }
0x4e: {  	_ =	shalt  }
0x4f: {  	_ =	shalt  }
0x50: {  	_ =	shalt  }
0x51: {  	_ =	shalt  }
0x52: {  	_ =	shalt  }
0x53: {  	_ =	shalt  }
0x54: {  	_ =	shalt  }
0x55: {  	_ =	shalt  }
0x56: {  	_ =	shalt  }
0x57: {  	_ =	shalt  }
0x58: {  	_ =	shalt  }
0x59: {  	_ =	shalt  }
0x5a: {  	_ =	shalt  }
0x5b: {  	_ =	shalt  }
0x5c: {  	_ =	shalt  }
0x5d: {  	_ =	shalt  }
0x5e: {  	_ =	shalt  }
0x5f: {  	_ =	shalt  }
0x60: {  	_ =	shalt  }
0x61: {  	_ =	shalt  }
0x62: {  	_ =	shalt  }
0x63: {  	_ =	shalt  }
0x64: {  	_ =	shalt  }
0x65: {  	_ =	shalt  }
0x66: {  	_ =	shalt  }
0x67: {  	_ =	shalt  }
0x68: {  	_ =	shalt  }
0x69: {  	_ =	shalt  }
0x6a: {  	_ =	shalt  }
0x6b: {  	_ =	shalt  }
0x6c: {  	_ =	shalt  }
0x6d: {  	_ =	shalt  }
0x6e: {  	_ =	shalt  }
0x6f: {  	_ =	shalt  }
0x70: {  	_ =	shalt  }
0x71: {  	_ =	shalt  }
0x72: {  	_ =	shalt  }
0x73: {  	_ =	shalt  }
0x74: {  	_ =	shalt  }
0x75: {  	_ =	shalt  }
0x76: {  	_ =	shalt  }
0x77: {  	_ =	shalt  }
0x78: {  	_ =	shalt  }
0x79: {  	_ =	shalt  }
0x7a: {  	_ =	shalt  }
0x7b: {  	_ =	shalt  }
0x7c: {  	_ =	shalt  }
0x7d: {  	_ =	shalt  }
0x7e: {  	_ =	shalt  }
0x7f: {  	_ =	shalt  }
0x80: {  	_ =	shalt  }
0x81: {  	_ =	shalt  }
0x82: {  	_ =	shalt  }
0x83: {  	_ =	shalt  }
0x84: {  	_ =	shalt  }
0x85: {  	_ =	shalt  }
0x86: {  	_ =	shalt  }
0x87: {  	_ =	shalt  }
.Lfunc_end0:
.L_simem_size_0:
called_computation_lowered:
.L_overlay_start_0:
0x88: {  	s2 =	sld [smem:$0x3FD9]  }
0x89: {  	s3 =	sld [smem:$0x3FFE];
	_ =	sdelay $0x1  }
0x8a: {  	s1 =	srdreg.scid  }
0x8b: {  	s0 =	sand.u32 $0x1, s1  }
0x8c: {  	s14 =	sshll.u32 s0, $0xA;
	s2 =	sadd.s32 s3, s2  }
0x8d: {  	s2 =	sadd.s32 s2, s14  }
0x8e: {  	[smem:$0x3FC5] =	sst s2  }
0x8f: {  	_ = 	snop  }
0x90: {  	s2 =	sld [smem:$0x3FD0];
	_ =	sdelay $0x1  }
0x91: {  	s15 =	sld [smem:$0x3FC9]  }
0x92: {  	s5 =	simm.s32 $0xA;
	s6 =	simm.s32 $0x10;
	s4 =	sld [smem:$0x3FC8]  }
0x93: {  	[smem:s6], [sflag:s5] =	dma.local [hbm:s2], $0x1  }
0x94: {  	_ =	swait.eq [sflag:s5], $0x1  }
0x95: {  	[sflag:s5] =	ssyncset.done $0x0  }
0x96: {  	s16 =	sld [smem:$0x10];
	[sflag:s5] =	ssyncadd.s32 $0xFFFFFFFF  }
0x97: {  	s17 =	sld [smem:$0x11];
	(tm) =	ssettm $0x1  }
0x98: {  	s18 =	sld [smem:$0x3FFB];
	_ =	sdelay $0x3  }
0x99: {  	_ =	strace s18  }
0x9a: {  	s6 =	sld [smem:$0x3FFC];
	_ =	sdelay $0x3  }
0x9b: {  	_ =	strace s6  }
0x9c: {  	s6 =	sld [smem:$0x3FFD];
	_ =	sdelay $0x3  }
0x9d: {  	_ =	strace s6  }
0x9e: {  	_ =	strace $0x8FFFFFFF  }
0x9f: {  	s19 =	sld [smem:$0x3FDB];
	_ =	sdelay $0x1  }
0xa0: {  	s7 =	simm.s32 $_scs_section_size  }
0xa1: {  	s8 =	simm.s32 $_size__tile_overlayer_lowered;
	s9 =	simm.s32 $_tile_overlayer_lowered  }
0xa2: {  	s22 =	simm.s32 $0x1BFF;
	s21 =	sshll.u32 s9, $0x1;
	s6 =	sadd.s32 s7, s19  }
0xa3: {  	s10 =	simm.s32 $0x0;
	s20 =	sshll.u32 s8, $0x1;
	s8 =	sadd.s32 s21, s6  }
0xa4: {  	[timem:s10], [sflag:s22] =	dma.local [hbm:s8], s20  }
0xa5: {  	_ =	swait.ge [sflag:s22], s20  }
0xa6: {  	s7 =	ssub.s32 $0x0, s20;
	[sflag:s22] =	ssyncset.done $0x0  }
0xa7: {  	[sflag:s22] =	ssyncadd.s32 s7;
	_ =	sdelay $0x1  }
0xa8: {  	s23 =	simm.s32 $0x1B8B  }
0xa9: {  	_ =	swait.ge [sflag:s23], $0x1  }
0xaa: {  	[sflag:s23] =	ssyncset.done $0x0  }
0xab: {  	s25 =	simm.s32 $0x1B8E;
	s24 =	sld [smem:$0x3FFE];
	[sflag:s23] =	ssyncadd.s32 $0xFFFFFFFF  }
0xac: {  	s26 =	simm.s32 $execute0_lowered;
	[smem:$0x3FD2] =	sst s25  }
0xad: {  	s8 =	sshll.u32 s26, $0x1;
	_ =	strace $0x80000046;
	[dreg:$0x1] =	wrdreg $0xFFFFFFFF  }
0xae: {  	s28 =	simm.s32 $_size_execute0_lowered;
	s6 =	sadd.s32 s6, s8;
	[dreg:$0x0] =	wrdreg $0x0  }
0xaf: {  	s8 =	sshll.u32 s28, $0x1;
	[dreg:$0x2] =	wrdreg s6  }
0xb0: {  	[dreg:$0x3] =	wrdreg s8  }
0xb1: {  	[dreg:$0x4] =	wrdreg $0xC0  }
0xb2: {  	_ =	task [dreg:s10], $0x5FFFF  }
0xb3: {  	[dreg:$0x1] =	wrdreg $0xFFFFFFFF  }
0xb4: {  	[dreg:$0x0] =	wrdreg $0x60  }
0xb5: {  	[dreg:$0x2] =	wrdreg s15  }
0xb6: {  	[dreg:$0x3] =	wrdreg s4  }
0xb7: {  	[dreg:$0x4] =	wrdreg s17  }
0xb8: {  	[dreg:$0x5] =	wrdreg s16  }
0xb9: {  	[dreg:$0x6] =	wrdreg s24  }
0xba: {  	[dreg:$0x7] =	wrdreg $0xC000  }
0xbb: {  	[dreg:$0x8] =	wrdreg $0x9  }
0xbc: {  	_ =	task.clear_ibuf [dreg:s10], $0x9FFFF;
	_ =	strace $0x90000046  }
0xbd: {  	s29 =	simm.s32 $0x9;
	_ =	strace $0x80000048  }
0xbe: {  	_ =	swait.ge [sflag:s29], $0x1  }
0xbf: {  	[sflag:s29] =	ssyncadd.s32 $0xFFFFFFFF  }
0xc0: {  	_ =	strace $0x90000048  }
0xc1: {  	_ =	sfence  }
0xc2: {  	s30 =	sld [smem:$0x0];
	_ =	sdelay $0x2  }
0xc3: {  	s31 =	sshll.u32 s1, $0xD;
	s1 =	sshrl.u32 s1, $0x2  }
0xc4: {  	s3 =	sand.u32 $0x4000, s31;
	s1 =	sadd.s32 s1, s30  }
0xc5: {  	s0 =	sor.u32 s3, s0;
	s1 =	sshll.u32 s1, $0x11  }
0xc6: {  	s0 =	sor.u32 s1, s0  }
0xc7: {  	s0 =	sadd.s32 $0x8F2B, s0  }
0xc8: {  	[sflag:s0] =	ssyncadd.remote.s32 $0x1  }
0xc9: {  	_ =	sfence.sel $0xFFFF  }
0xca: {  	[dreg:$0x0] =	wrdreg $0xFFFFFFFF;
	(pc) =	sbr.abs _section_cstart, $3  }
0xcb: {  	[dreg:$0x1] =	wrdreg $0xFFFFFFFF  }
0xcc: {  	_ =	task.clear_ibuf [dreg:s10], $0x2FFFF;
	_ =	strace $0x9FFFFFFF  }
0xcd: {  	(tm) =	ssettm $0x7FFFFFFF  }
tec
execute0_lowered:
.L_overlay_start_1:
0x0: {  	(tag) =	ssettag $0x1  }
0x1: {  	s10 =	rddreg [dreg:$0x0]  }
0x2: {  	s11 =	rddreg [dreg:$0x1]  }
0x3: {  	s7 =	rddreg [dreg:$0x2]  }
0x4: {  	s1 =	rddreg [dreg:$0x3]  }
0x5: {  	s5 =	rddreg [dreg:$0x4]  }
0x6: {  	s3 =	rddreg [dreg:$0x5]  }
0x7: {  	s0 =	rddreg [dreg:$0x6];
	s6 =	srdreg.scid  }
0x8: {  	s4 =	simm.s32 $0x0;
	s2 =	stileid.u32;
	s15 =	simm.s32 $0x400  }
0x9: {  	s16 =	simm.s32 $0x100;
	s17 =	simm.s32 $0x180;
	s18 =	simm.s32 $0x200  }
0xa: {  	s19 =	simm.s32 $0x280;
	s20 =	simm.s32 $0x300;
	s21 =	simm.s32 $0x380  }
0xb: {  	s22 =	simm.s32 $0x1;
	s23 =	simm.s32 $0x0;
	s9 =	sand.u32 $0x1, s6  }
0xc: {  	[smem:$0x7FF] =	sst s4;
	s8 =	smul.u32 $0xEA80, s2;
	s5 =	sadd.s32 $0x800, s5  }
0xd: {  	s31 =	sshll.u32 s2, $0x6;
	s14 =	smul.u32 $0x1D80, s2;
	s6 =	ssub.s32 $0x2, s9  }
.Ltmp0:
0xe: {  	_ =	strace $0x80000047;
	p0 =	seq.s32 s9, $0x1;
	(pc) =	sbr.rel .LBB2_1-.Ltmp0, $4  }
0xf: {  	s12 =	sshrl.u32 s6, $0x1;
	s13 =	sadd.s32 s8, s3;
	s10 =	sadd.s32 s14, s10  }
0x10: {  	s11 =	sadd.s32 s14, s11;
	s12 =	ssub.s32 s6, s12;
	s6 =	sshrl.u32 s8, $0x3  }
0x11: {  	s14 =	simm.s32 $0x80;
	s8 =	sor.u32 $0x1C02, s31;
	s7 =	sadd.s32 s7, s6  }
0x12: {  	v0 =	vimm.f32 $1.000000000e+00;
	s9 =	smax.u32 s12, $0x1;
	s12 =	sshrl.u32 s13, $0x3;
	s13 =	simm.s32 $0x2  }
.LBB2_7:
0x13: {  	s24 =	sadd.s32 s24, s11;
	[sflag:s22] =	ssyncadd.s32 $0xFFFFF800  }
0x14: {  	[tilespmem:s4], [sflag:$0x2] =	stream.linear.gather [hbm4b:s24+s4], $0x400, $0x38;
	[tilespmem:$0xF680] =	vst v63  }
0x15: {  	_ =	swait.ge [sflag:s13], $0x400  }
0x16: {  	[sflag:s13] =	ssyncset.done $0x0  }
0x17: {  	[sflag:s13] =	ssyncadd.s32 $0xFFFFFC00  }
0x18: {  	[spmem:s3] =	stream.indirect.scatter.add.f32 [tilespmem:s15], [sflag:$0x1], $0x10, s4, s14, $0xb8;
	[tilespmem:$0xF680] =	vst v63  }
0x19: {  	_ = 	snop  }
0x1a: {  	[spmem:s3] =	stream.indirect.scatter.add.f32 [tilespmem:s15], [sflag:$0x1], $0x10, s14, s14, $0xb8;
	[tilespmem:$0xF680] =	vst v63  }
0x1b: {  	_ = 	snop  }
0x1c: {  	[spmem:s3] =	stream.indirect.scatter.add.f32 [tilespmem:s15], [sflag:$0x1], $0x10, s16, s14, $0xb8;
	[tilespmem:$0xF680] =	vst v63  }
0x1d: {  	_ = 	snop  }
0x1e: {  	[spmem:s3] =	stream.indirect.scatter.add.f32 [tilespmem:s15], [sflag:$0x1], $0x10, s17, s14, $0xb8;
	[tilespmem:$0xF680] =	vst v63  }
0x1f: {  	_ = 	snop  }
0x20: {  	[spmem:s3] =	stream.indirect.scatter.add.f32 [tilespmem:s15], [sflag:$0x1], $0x10, s18, s14, $0xb8;
	[tilespmem:$0xF680] =	vst v63  }
0x21: {  	_ = 	snop  }
0x22: {  	[spmem:s3] =	stream.indirect.scatter.add.f32 [tilespmem:s15], [sflag:$0x1], $0x10, s19, s14, $0xb8;
	[tilespmem:$0xF680] =	vst v63  }
0x23: {  	_ = 	snop  }
0x24: {  	[spmem:s3] =	stream.indirect.scatter.add.f32 [tilespmem:s15], [sflag:$0x1], $0x10, s20, s14, $0xb8;
	[tilespmem:$0xF680] =	vst v63  }
0x25: {  	_ = 	snop  }
0x26: {  	[spmem:s3] =	stream.indirect.scatter.add.f32 [tilespmem:s15], [sflag:$0x1], $0x10, s21, s14, $0xb8;
	[tilespmem:$0xF680] =	vst v63  }
0x27: {  	_ =	swait.ge [sflag:s22], $0x800  }
0x28: {  	[sflag:s22] =	ssyncset.done $0x0  }
0x29: {  	[sflag:s22] =	ssyncadd.s32 $0xFFFFF800  }
0x2a: {  	_ =	swait.ge [sflag:s22], $0x800  }
0x2b: {  	[sflag:s22] =	ssyncset.done $0x0  }
0x2c: {  	[sflag:s22] =	ssyncadd.s32 $0xFFFFF800  }
0x2d: {  	_ =	swait.ge [sflag:s22], $0x800  }
0x2e: {  	[sflag:s22] =	ssyncset.done $0x0  }
0x2f: {  	[sflag:s22] =	ssyncadd.s32 $0xFFFFF800  }
0x30: {  	_ =	swait.ge [sflag:s22], $0x800  }
0x31: {  	[sflag:s22] =	ssyncset.done $0x0  }
0x32: {  	[sflag:s22] =	ssyncadd.s32 $0xFFFFF800  }
0x33: {  	_ =	swait.ge [sflag:s22], $0x800  }
0x34: {  	[sflag:s22] =	ssyncset.done $0x0  }
0x35: {  	[sflag:s22] =	ssyncadd.s32 $0xFFFFF800  }
0x36: {  	_ =	swait.ge [sflag:s22], $0x800  }
0x37: {  	[sflag:s22] =	ssyncset.done $0x0  }
0x38: {  	[sflag:s22] =	ssyncadd.s32 $0xFFFFF800  }
0x39: {  	_ =	swait.ge [sflag:s22], $0x800  }
0x3a: {  	[sflag:s22] =	ssyncset.done $0x0  }
0x3b: {  	[sflag:s22] =	ssyncadd.s32 $0xFFFFF800  }
0x3c: {  	_ =	swait.ge [sflag:s22], $0x800  }
0x3d: {  	[sflag:s22] =	ssyncset.done $0x0  }
0x3e: {  	s24 =	smov.u32 s5;
	[sflag:s22] =	ssyncadd.s32 $0xFFFFF800  }
.LBB2_8:
0x3f: {  	s23 =	sadd.s32 $0x1, s23  }
0x40: {  	p1 =	sne.s32 s23, s9  }
.Ltmp1:
0x41: {  	s24 =	sadd.s32 s24, s6;
	[bflag:$0x0] =	sbarrier.arrive $0xFFFF;
	(pc) =	sbr.rel @!p1 .LBB2_9-.Ltmp1, $4  }
0x42: {  	[hbm:s24], [sflag:s8] =	dma.local [spmem:s12], $0x1D50  }
0x43: {  	_ =	swait.ge [sflag:s13], $0x1D50  }
0x44: {  	[sflag:s13] =	ssyncset.done $0x0  }
0x45: {  	[sflag:s13] =	ssyncadd.s32 $0xFFFFE2B0  }
.LBB2_1:
0x46: {  	[tilespmem:$0x400] =	vst v0  }
0x47: {  	[tilespmem:$0x410] =	vst v0  }
0x48: {  	[tilespmem:$0x420] =	vst v0  }
0x49: {  	[tilespmem:$0x430] =	vst v0  }
0x4a: {  	[tilespmem:$0x440] =	vst v0  }
0x4b: {  	[tilespmem:$0x450] =	vst v0  }
0x4c: {  	[tilespmem:$0x460] =	vst v0  }
0x4d: {  	[tilespmem:$0x470] =	vst v0  }
0x4e: {  	[tilespmem:$0x480] =	vst v0  }
0x4f: {  	[tilespmem:$0x490] =	vst v0  }
0x50: {  	[tilespmem:$0x4A0] =	vst v0  }
0x51: {  	[tilespmem:$0x4B0] =	vst v0  }
0x52: {  	[tilespmem:$0x4C0] =	vst v0  }
0x53: {  	[tilespmem:$0x4D0] =	vst v0  }
0x54: {  	[tilespmem:$0x4E0] =	vst v0  }
0x55: {  	[tilespmem:$0x4F0] =	vst v0  }
0x56: {  	[tilespmem:$0x500] =	vst v0  }
0x57: {  	[tilespmem:$0x510] =	vst v0  }
0x58: {  	[tilespmem:$0x520] =	vst v0  }
0x59: {  	[tilespmem:$0x530] =	vst v0  }
0x5a: {  	[tilespmem:$0x540] =	vst v0  }
0x5b: {  	[tilespmem:$0x550] =	vst v0  }
0x5c: {  	[tilespmem:$0x560] =	vst v0  }
0x5d: {  	[tilespmem:$0x570] =	vst v0  }
0x5e: {  	[tilespmem:$0x580] =	vst v0  }
0x5f: {  	[tilespmem:$0x590] =	vst v0  }
0x60: {  	[tilespmem:$0x5A0] =	vst v0  }
0x61: {  	[tilespmem:$0x5B0] =	vst v0  }
0x62: {  	[tilespmem:$0x5C0] =	vst v0  }
0x63: {  	[tilespmem:$0x5D0] =	vst v0  }
0x64: {  	[tilespmem:$0x5E0] =	vst v0  }
0x65: {  	[tilespmem:$0x5F0] =	vst v0  }
0x66: {  	[tilespmem:$0x600] =	vst v0  }
0x67: {  	[tilespmem:$0x610] =	vst v0  }
0x68: {  	[tilespmem:$0x620] =	vst v0  }
0x69: {  	[tilespmem:$0x630] =	vst v0  }
0x6a: {  	[tilespmem:$0x640] =	vst v0  }
0x6b: {  	[tilespmem:$0x650] =	vst v0  }
0x6c: {  	[tilespmem:$0x660] =	vst v0  }
0x6d: {  	[tilespmem:$0x670] =	vst v0  }
0x6e: {  	[tilespmem:$0x680] =	vst v0  }
0x6f: {  	[tilespmem:$0x690] =	vst v0  }
0x70: {  	[tilespmem:$0x6A0] =	vst v0  }
0x71: {  	[tilespmem:$0x6B0] =	vst v0  }
0x72: {  	[tilespmem:$0x6C0] =	vst v0  }
0x73: {  	[tilespmem:$0x6D0] =	vst v0  }
0x74: {  	[tilespmem:$0x6E0] =	vst v0  }
0x75: {  	[tilespmem:$0x6F0] =	vst v0  }
0x76: {  	[tilespmem:$0x700] =	vst v0  }
0x77: {  	[tilespmem:$0x710] =	vst v0  }
0x78: {  	[tilespmem:$0x720] =	vst v0  }
0x79: {  	[tilespmem:$0x730] =	vst v0  }
0x7a: {  	[tilespmem:$0x740] =	vst v0  }
0x7b: {  	[tilespmem:$0x750] =	vst v0  }
0x7c: {  	[tilespmem:$0x760] =	vst v0  }
0x7d: {  	[tilespmem:$0x770] =	vst v0  }
0x7e: {  	[tilespmem:$0x780] =	vst v0  }
0x7f: {  	[tilespmem:$0x790] =	vst v0  }
0x80: {  	[tilespmem:$0x7A0] =	vst v0  }
0x81: {  	[tilespmem:$0x7B0] =	vst v0  }
0x82: {  	[tilespmem:$0x7C0] =	vst v0  }
0x83: {  	[tilespmem:$0x7D0] =	vst v0  }
0x84: {  	[tilespmem:$0x7E0] =	vst v0  }
0x85: {  	[tilespmem:$0x7F0] =	vst v0  }
0x86: {  	[tilespmem:$0x800] =	vst v0  }
0x87: {  	[tilespmem:$0x810] =	vst v0  }
0x88: {  	[tilespmem:$0x820] =	vst v0  }
0x89: {  	[tilespmem:$0x830] =	vst v0  }
0x8a: {  	[tilespmem:$0x840] =	vst v0  }
0x8b: {  	[tilespmem:$0x850] =	vst v0  }
0x8c: {  	[tilespmem:$0x860] =	vst v0  }
0x8d: {  	[tilespmem:$0x870] =	vst v0  }
0x8e: {  	[tilespmem:$0x880] =	vst v0  }
0x8f: {  	[tilespmem:$0x890] =	vst v0  }
0x90: {  	[tilespmem:$0x8A0] =	vst v0  }
0x91: {  	[tilespmem:$0x8B0] =	vst v0  }
0x92: {  	[tilespmem:$0x8C0] =	vst v0  }
0x93: {  	[tilespmem:$0x8D0] =	vst v0  }
0x94: {  	[tilespmem:$0x8E0] =	vst v0  }
0x95: {  	[tilespmem:$0x8F0] =	vst v0  }
0x96: {  	[tilespmem:$0x900] =	vst v0  }
0x97: {  	[tilespmem:$0x910] =	vst v0  }
0x98: {  	[tilespmem:$0x920] =	vst v0  }
0x99: {  	[tilespmem:$0x930] =	vst v0  }
0x9a: {  	[tilespmem:$0x940] =	vst v0  }
0x9b: {  	[tilespmem:$0x950] =	vst v0  }
0x9c: {  	[tilespmem:$0x960] =	vst v0  }
0x9d: {  	[tilespmem:$0x970] =	vst v0  }
0x9e: {  	[tilespmem:$0x980] =	vst v0  }
0x9f: {  	[tilespmem:$0x990] =	vst v0  }
0xa0: {  	[tilespmem:$0x9A0] =	vst v0  }
0xa1: {  	[tilespmem:$0x9B0] =	vst v0  }
0xa2: {  	[tilespmem:$0x9C0] =	vst v0  }
0xa3: {  	[tilespmem:$0x9D0] =	vst v0  }
0xa4: {  	[tilespmem:$0x9E0] =	vst v0  }
0xa5: {  	[tilespmem:$0x9F0] =	vst v0  }
0xa6: {  	[tilespmem:$0xA00] =	vst v0  }
0xa7: {  	[tilespmem:$0xA10] =	vst v0  }
0xa8: {  	[tilespmem:$0xA20] =	vst v0  }
0xa9: {  	[tilespmem:$0xA30] =	vst v0  }
0xaa: {  	[tilespmem:$0xA40] =	vst v0  }
0xab: {  	[tilespmem:$0xA50] =	vst v0  }
0xac: {  	[tilespmem:$0xA60] =	vst v0  }
0xad: {  	[tilespmem:$0xA70] =	vst v0  }
0xae: {  	[tilespmem:$0xA80] =	vst v0  }
0xaf: {  	[tilespmem:$0xA90] =	vst v0  }
0xb0: {  	[tilespmem:$0xAA0] =	vst v0  }
0xb1: {  	[tilespmem:$0xAB0] =	vst v0  }
0xb2: {  	[tilespmem:$0xAC0] =	vst v0  }
0xb3: {  	[tilespmem:$0xAD0] =	vst v0  }
0xb4: {  	[tilespmem:$0xAE0] =	vst v0  }
0xb5: {  	[tilespmem:$0xAF0] =	vst v0  }
0xb6: {  	[tilespmem:$0xB00] =	vst v0  }
0xb7: {  	[tilespmem:$0xB10] =	vst v0  }
0xb8: {  	[tilespmem:$0xB20] =	vst v0  }
0xb9: {  	[tilespmem:$0xB30] =	vst v0  }
0xba: {  	[tilespmem:$0xB40] =	vst v0  }
0xbb: {  	[tilespmem:$0xB50] =	vst v0  }
0xbc: {  	[tilespmem:$0xB60] =	vst v0  }
0xbd: {  	[tilespmem:$0xB70] =	vst v0  }
0xbe: {  	[tilespmem:$0xB80] =	vst v0  }
0xbf: {  	[tilespmem:$0xB90] =	vst v0  }
0xc0: {  	[tilespmem:$0xBA0] =	vst v0  }
0xc1: {  	[tilespmem:$0xBB0] =	vst v0  }
0xc2: {  	[tilespmem:$0xBC0] =	vst v0  }
0xc3: {  	[tilespmem:$0xBD0] =	vst v0  }
0xc4: {  	[tilespmem:$0xBE0] =	vst v0  }
0xc5: {  	[tilespmem:$0xBF0] =	vst v0  }
0xc6: {  	[spmem:s12], [sflag:s8] =	dma.local [hbm:s7], $0x1D50  }
.Ltmp2:
0xc7: {  	_ =	swait.ge [sflag:s13], $0x1D50;
	(pc) =	sbr.rel @!p0 .LBB2_2-.Ltmp2, $3  }
0xc8: {  	[sflag:s13] =	ssyncset.done $0x0  }
0xc9: {  	[sflag:s13] =	ssyncadd.s32 $0xFFFFE2B0  }
0xca: {  	[bflag:$0x0] =	sbarrier.arrive $0xFFFF;
	_ =	sdelay $0x1  }
0xcb: {  	s24 =	sadd.s32 $0x0, s11  }
0xcc: {  	[tilespmem:s4], [sflag:$0x2] =	stream.linear.gather [hbm4b:s24+s4], $0x400, $0x38;
	[tilespmem:$0xF680] =	vst v63  }
0xcd: {  	_ =	swait.ge [sflag:s13], $0x400  }
0xce: {  	[sflag:s13] =	ssyncset.done $0x0  }
0xcf: {  	[sflag:s13] =	ssyncadd.s32 $0xFFFFFC00  }
0xd0: {  	[spmem:s3] =	stream.indirect.scatter.add.f32 [tilespmem:s15], [sflag:$0x1], $0x10, s4, s14, $0xb8;
	[tilespmem:$0xF680] =	vst v63  }
0xd1: {  	_ = 	snop  }
0xd2: {  	[spmem:s3] =	stream.indirect.scatter.add.f32 [tilespmem:s15], [sflag:$0x1], $0x10, s14, s14, $0xb8;
	[tilespmem:$0xF680] =	vst v63  }
0xd3: {  	_ = 	snop  }
0xd4: {  	[spmem:s3] =	stream.indirect.scatter.add.f32 [tilespmem:s15], [sflag:$0x1], $0x10, s16, s14, $0xb8;
	[tilespmem:$0xF680] =	vst v63  }
0xd5: {  	_ = 	snop  }
0xd6: {  	[spmem:s3] =	stream.indirect.scatter.add.f32 [tilespmem:s15], [sflag:$0x1], $0x10, s17, s14, $0xb8;
	[tilespmem:$0xF680] =	vst v63  }
0xd7: {  	_ = 	snop  }
0xd8: {  	[spmem:s3] =	stream.indirect.scatter.add.f32 [tilespmem:s15], [sflag:$0x1], $0x10, s18, s14, $0xb8;
	[tilespmem:$0xF680] =	vst v63  }
0xd9: {  	_ = 	snop  }
0xda: {  	[spmem:s3] =	stream.indirect.scatter.add.f32 [tilespmem:s15], [sflag:$0x1], $0x10, s19, s14, $0xb8;
	[tilespmem:$0xF680] =	vst v63  }
0xdb: {  	_ = 	snop  }
0xdc: {  	[spmem:s3] =	stream.indirect.scatter.add.f32 [tilespmem:s15], [sflag:$0x1], $0x10, s20, s14, $0xb8;
	[tilespmem:$0xF680] =	vst v63  }
0xdd: {  	_ = 	snop  }
0xde: {  	[spmem:s3] =	stream.indirect.scatter.add.f32 [tilespmem:s15], [sflag:$0x1], $0x10, s21, s14, $0xb8;
	[tilespmem:$0xF680] =	vst v63  }
0xdf: {  	_ =	swait.ge [sflag:s22], $0x800  }
0xe0: {  	[sflag:s22] =	ssyncset.done $0x0  }
0xe1: {  	[sflag:s22] =	ssyncadd.s32 $0xFFFFF800  }
0xe2: {  	_ =	swait.ge [sflag:s22], $0x800  }
0xe3: {  	[sflag:s22] =	ssyncset.done $0x0  }
0xe4: {  	[sflag:s22] =	ssyncadd.s32 $0xFFFFF800  }
0xe5: {  	_ =	swait.ge [sflag:s22], $0x800  }
0xe6: {  	[sflag:s22] =	ssyncset.done $0x0  }
0xe7: {  	[sflag:s22] =	ssyncadd.s32 $0xFFFFF800  }
0xe8: {  	_ =	swait.ge [sflag:s22], $0x800  }
0xe9: {  	[sflag:s22] =	ssyncset.done $0x0  }
0xea: {  	[sflag:s22] =	ssyncadd.s32 $0xFFFFF800  }
0xeb: {  	_ =	swait.ge [sflag:s22], $0x800  }
0xec: {  	[sflag:s22] =	ssyncset.done $0x0  }
0xed: {  	[sflag:s22] =	ssyncadd.s32 $0xFFFFF800  }
0xee: {  	_ =	swait.ge [sflag:s22], $0x800  }
0xef: {  	[sflag:s22] =	ssyncset.done $0x0  }
0xf0: {  	[sflag:s22] =	ssyncadd.s32 $0xFFFFF800  }
0xf1: {  	_ =	swait.ge [sflag:s22], $0x800  }
0xf2: {  	[sflag:s22] =	ssyncset.done $0x0  }
0xf3: {  	[sflag:s22] =	ssyncadd.s32 $0xFFFFF800  }
0xf4: {  	_ =	swait.ge [sflag:s22], $0x800  }
0xf5: {  	s26 =	simm.s32 $0x100;
	s24 =	simm.s32 $0x80;
	[sflag:s22] =	ssyncset.done $0x0  }
.LBB2_6:
0xf6: {  	s28 =	sadd.s32 s24, s11  }
0xf7: {  	[sflag:s22] =	ssyncadd.s32 $0xFFFFF800;
	s24 =	smov.u32 s26;
	s25 =	sadd.s32 $0x80, s26  }
0xf8: {  	[tilespmem:s4], [sflag:$0x2] =	stream.linear.gather [hbm4b:s28+s4], $0x400, $0x38;
	[tilespmem:$0xF680] =	vst v63  }
0xf9: {  	p1 =	sne.s32 s26, $0x1D00;
	_ =	swait.ge [sflag:s13], $0x400  }
0xfa: {  	[sflag:s13] =	ssyncset.done $0x0  }
0xfb: {  	[sflag:s13] =	ssyncadd.s32 $0xFFFFFC00  }
0xfc: {  	[spmem:s3] =	stream.indirect.scatter.add.f32 [tilespmem:s15], [sflag:$0x1], $0x10, s4, s14, $0xb8;
	[tilespmem:$0xF680] =	vst v63  }
0xfd: {  	_ = 	snop  }
0xfe: {  	[spmem:s3] =	stream.indirect.scatter.add.f32 [tilespmem:s15], [sflag:$0x1], $0x10, s14, s14, $0xb8;
	[tilespmem:$0xF680] =	vst v63  }
0xff: {  	_ = 	snop  }
0x100: {  	[spmem:s3] =	stream.indirect.scatter.add.f32 [tilespmem:s15], [sflag:$0x1], $0x10, s16, s14, $0xb8;
	[tilespmem:$0xF680] =	vst v63  }
0x101: {  	_ = 	snop  }
0x102: {  	[spmem:s3] =	stream.indirect.scatter.add.f32 [tilespmem:s15], [sflag:$0x1], $0x10, s17, s14, $0xb8;
	[tilespmem:$0xF680] =	vst v63  }
0x103: {  	_ = 	snop  }
0x104: {  	[spmem:s3] =	stream.indirect.scatter.add.f32 [tilespmem:s15], [sflag:$0x1], $0x10, s18, s14, $0xb8;
	[tilespmem:$0xF680] =	vst v63  }
0x105: {  	_ = 	snop  }
0x106: {  	[spmem:s3] =	stream.indirect.scatter.add.f32 [tilespmem:s15], [sflag:$0x1], $0x10, s19, s14, $0xb8;
	[tilespmem:$0xF680] =	vst v63  }
0x107: {  	_ = 	snop  }
0x108: {  	[spmem:s3] =	stream.indirect.scatter.add.f32 [tilespmem:s15], [sflag:$0x1], $0x10, s20, s14, $0xb8;
	[tilespmem:$0xF680] =	vst v63  }
0x109: {  	_ = 	snop  }
0x10a: {  	[spmem:s3] =	stream.indirect.scatter.add.f32 [tilespmem:s15], [sflag:$0x1], $0x10, s21, s14, $0xb8;
	[tilespmem:$0xF680] =	vst v63  }
0x10b: {  	_ =	swait.ge [sflag:s22], $0x800  }
0x10c: {  	[sflag:s22] =	ssyncset.done $0x0  }
0x10d: {  	[sflag:s22] =	ssyncadd.s32 $0xFFFFF800  }
0x10e: {  	_ =	swait.ge [sflag:s22], $0x800  }
0x10f: {  	[sflag:s22] =	ssyncset.done $0x0  }
0x110: {  	[sflag:s22] =	ssyncadd.s32 $0xFFFFF800  }
0x111: {  	_ =	swait.ge [sflag:s22], $0x800  }
0x112: {  	[sflag:s22] =	ssyncset.done $0x0  }
0x113: {  	[sflag:s22] =	ssyncadd.s32 $0xFFFFF800  }
0x114: {  	_ =	swait.ge [sflag:s22], $0x800  }
0x115: {  	[sflag:s22] =	ssyncset.done $0x0  }
0x116: {  	[sflag:s22] =	ssyncadd.s32 $0xFFFFF800  }
0x117: {  	_ =	swait.ge [sflag:s22], $0x800  }
0x118: {  	[sflag:s22] =	ssyncset.done $0x0  }
0x119: {  	[sflag:s22] =	ssyncadd.s32 $0xFFFFF800  }
0x11a: {  	_ =	swait.ge [sflag:s22], $0x800  }
0x11b: {  	[sflag:s22] =	ssyncset.done $0x0  }
0x11c: {  	[sflag:s22] =	ssyncadd.s32 $0xFFFFF800  }
.Ltmp3:
0x11d: {  	_ =	swait.ge [sflag:s22], $0x800;
	(pc) =	sbr.rel @p1 .LBB2_6-.Ltmp3, $4  }
0x11e: {  	[sflag:s22] =	ssyncset.done $0x0  }
0x11f: {  	[sflag:s22] =	ssyncadd.s32 $0xFFFFF800  }
0x120: {  	_ =	swait.ge [sflag:s22], $0x800  }
0x121: {  	s26 =	smov.u32 s25;
	[sflag:s22] =	ssyncset.done $0x0  }
.Ltmp4:
0x122: {  	_ = 	snop;
	(pc) =	sbr.rel .LBB2_7-.Ltmp4, $1  }
0x123: {  	_ =	sdelay $0x3  }
.LBB2_2:
0x124: {  	s24 =	sadd.s32 $0x0, s10  }
0x125: {  	[tilespmem:s4], [sflag:$0x2] =	stream.linear.gather [hbm4b:s24+s4], $0x400, $0x38;
	[tilespmem:$0xF680] =	vst v63  }
0x126: {  	_ =	swait.ge [sflag:s13], $0x400  }
0x127: {  	[sflag:s13] =	ssyncset.done $0x0  }
0x128: {  	[sflag:s13] =	ssyncadd.s32 $0xFFFFFC00  }
0x129: {  	[spmem:s3] =	stream.indirect.scatter.add.f32 [tilespmem:s15], [sflag:$0x1], $0x10, s4, s14, $0xb8;
	[tilespmem:$0xF680] =	vst v63  }
0x12a: {  	_ = 	snop  }
0x12b: {  	[spmem:s3] =	stream.indirect.scatter.add.f32 [tilespmem:s15], [sflag:$0x1], $0x10, s14, s14, $0xb8;
	[tilespmem:$0xF680] =	vst v63  }
0x12c: {  	_ = 	snop  }
0x12d: {  	[spmem:s3] =	stream.indirect.scatter.add.f32 [tilespmem:s15], [sflag:$0x1], $0x10, s16, s14, $0xb8;
	[tilespmem:$0xF680] =	vst v63  }
0x12e: {  	_ = 	snop  }
0x12f: {  	[spmem:s3] =	stream.indirect.scatter.add.f32 [tilespmem:s15], [sflag:$0x1], $0x10, s17, s14, $0xb8;
	[tilespmem:$0xF680] =	vst v63  }
0x130: {  	_ = 	snop  }
0x131: {  	[spmem:s3] =	stream.indirect.scatter.add.f32 [tilespmem:s15], [sflag:$0x1], $0x10, s18, s14, $0xb8;
	[tilespmem:$0xF680] =	vst v63  }
0x132: {  	_ = 	snop  }
0x133: {  	[spmem:s3] =	stream.indirect.scatter.add.f32 [tilespmem:s15], [sflag:$0x1], $0x10, s19, s14, $0xb8;
	[tilespmem:$0xF680] =	vst v63  }
0x134: {  	_ = 	snop  }
0x135: {  	[spmem:s3] =	stream.indirect.scatter.add.f32 [tilespmem:s15], [sflag:$0x1], $0x10, s20, s14, $0xb8;
	[tilespmem:$0xF680] =	vst v63  }
0x136: {  	_ = 	snop  }
0x137: {  	[spmem:s3] =	stream.indirect.scatter.add.f32 [tilespmem:s15], [sflag:$0x1], $0x10, s21, s14, $0xb8;
	[tilespmem:$0xF680] =	vst v63  }
0x138: {  	_ =	swait.ge [sflag:s22], $0x800  }
0x139: {  	[sflag:s22] =	ssyncset.done $0x0  }
0x13a: {  	[sflag:s22] =	ssyncadd.s32 $0xFFFFF800  }
0x13b: {  	_ =	swait.ge [sflag:s22], $0x800  }
0x13c: {  	[sflag:s22] =	ssyncset.done $0x0  }
0x13d: {  	[sflag:s22] =	ssyncadd.s32 $0xFFFFF800  }
0x13e: {  	_ =	swait.ge [sflag:s22], $0x800  }
0x13f: {  	[sflag:s22] =	ssyncset.done $0x0  }
0x140: {  	[sflag:s22] =	ssyncadd.s32 $0xFFFFF800  }
0x141: {  	_ =	swait.ge [sflag:s22], $0x800  }
0x142: {  	[sflag:s22] =	ssyncset.done $0x0  }
0x143: {  	[sflag:s22] =	ssyncadd.s32 $0xFFFFF800  }
0x144: {  	_ =	swait.ge [sflag:s22], $0x800  }
0x145: {  	[sflag:s22] =	ssyncset.done $0x0  }
0x146: {  	[sflag:s22] =	ssyncadd.s32 $0xFFFFF800  }
0x147: {  	_ =	swait.ge [sflag:s22], $0x800  }
0x148: {  	[sflag:s22] =	ssyncset.done $0x0  }
0x149: {  	[sflag:s22] =	ssyncadd.s32 $0xFFFFF800  }
0x14a: {  	_ =	swait.ge [sflag:s22], $0x800  }
0x14b: {  	[sflag:s22] =	ssyncset.done $0x0  }
0x14c: {  	[sflag:s22] =	ssyncadd.s32 $0xFFFFF800  }
0x14d: {  	_ =	swait.ge [sflag:s22], $0x800  }
0x14e: {  	s26 =	simm.s32 $0x100;
	s24 =	simm.s32 $0x80;
	[sflag:s22] =	ssyncset.done $0x0  }
.LBB2_3:
0x14f: {  	s28 =	sadd.s32 s24, s10  }
0x150: {  	[sflag:s22] =	ssyncadd.s32 $0xFFFFF800;
	s24 =	smov.u32 s26;
	s25 =	sadd.s32 $0x80, s26  }
0x151: {  	[tilespmem:s4], [sflag:$0x2] =	stream.linear.gather [hbm4b:s28+s4], $0x400, $0x38;
	[tilespmem:$0xF680] =	vst v63  }
0x152: {  	p1 =	seq.s32 s26, $0x1D00;
	_ =	swait.ge [sflag:s13], $0x400  }
0x153: {  	[sflag:s13] =	ssyncset.done $0x0  }
0x154: {  	[sflag:s13] =	ssyncadd.s32 $0xFFFFFC00  }
0x155: {  	[spmem:s3] =	stream.indirect.scatter.add.f32 [tilespmem:s15], [sflag:$0x1], $0x10, s4, s14, $0xb8;
	[tilespmem:$0xF680] =	vst v63  }
0x156: {  	_ = 	snop  }
0x157: {  	[spmem:s3] =	stream.indirect.scatter.add.f32 [tilespmem:s15], [sflag:$0x1], $0x10, s14, s14, $0xb8;
	[tilespmem:$0xF680] =	vst v63  }
0x158: {  	_ = 	snop  }
0x159: {  	[spmem:s3] =	stream.indirect.scatter.add.f32 [tilespmem:s15], [sflag:$0x1], $0x10, s16, s14, $0xb8;
	[tilespmem:$0xF680] =	vst v63  }
0x15a: {  	_ = 	snop  }
0x15b: {  	[spmem:s3] =	stream.indirect.scatter.add.f32 [tilespmem:s15], [sflag:$0x1], $0x10, s17, s14, $0xb8;
	[tilespmem:$0xF680] =	vst v63  }
0x15c: {  	_ = 	snop  }
0x15d: {  	[spmem:s3] =	stream.indirect.scatter.add.f32 [tilespmem:s15], [sflag:$0x1], $0x10, s18, s14, $0xb8;
	[tilespmem:$0xF680] =	vst v63  }
0x15e: {  	_ = 	snop  }
0x15f: {  	[spmem:s3] =	stream.indirect.scatter.add.f32 [tilespmem:s15], [sflag:$0x1], $0x10, s19, s14, $0xb8;
	[tilespmem:$0xF680] =	vst v63  }
0x160: {  	_ = 	snop  }
0x161: {  	[spmem:s3] =	stream.indirect.scatter.add.f32 [tilespmem:s15], [sflag:$0x1], $0x10, s20, s14, $0xb8;
	[tilespmem:$0xF680] =	vst v63  }
0x162: {  	_ = 	snop  }
0x163: {  	[spmem:s3] =	stream.indirect.scatter.add.f32 [tilespmem:s15], [sflag:$0x1], $0x10, s21, s14, $0xb8;
	[tilespmem:$0xF680] =	vst v63  }
0x164: {  	_ =	swait.ge [sflag:s22], $0x800  }
0x165: {  	[sflag:s22] =	ssyncset.done $0x0  }
0x166: {  	[sflag:s22] =	ssyncadd.s32 $0xFFFFF800  }
0x167: {  	_ =	swait.ge [sflag:s22], $0x800  }
0x168: {  	[sflag:s22] =	ssyncset.done $0x0  }
0x169: {  	[sflag:s22] =	ssyncadd.s32 $0xFFFFF800  }
0x16a: {  	_ =	swait.ge [sflag:s22], $0x800  }
0x16b: {  	[sflag:s22] =	ssyncset.done $0x0  }
0x16c: {  	[sflag:s22] =	ssyncadd.s32 $0xFFFFF800  }
0x16d: {  	_ =	swait.ge [sflag:s22], $0x800  }
0x16e: {  	[sflag:s22] =	ssyncset.done $0x0  }
0x16f: {  	[sflag:s22] =	ssyncadd.s32 $0xFFFFF800  }
0x170: {  	_ =	swait.ge [sflag:s22], $0x800  }
0x171: {  	[sflag:s22] =	ssyncset.done $0x0  }
0x172: {  	[sflag:s22] =	ssyncadd.s32 $0xFFFFF800  }
0x173: {  	_ =	swait.ge [sflag:s22], $0x800  }
0x174: {  	[sflag:s22] =	ssyncset.done $0x0  }
0x175: {  	[sflag:s22] =	ssyncadd.s32 $0xFFFFF800  }
.Ltmp5:
0x176: {  	_ =	swait.ge [sflag:s22], $0x800;
	(pc) =	sbr.rel @!p1 .LBB2_3-.Ltmp5, $4  }
0x177: {  	[sflag:s22] =	ssyncset.done $0x0  }
0x178: {  	[sflag:s22] =	ssyncadd.s32 $0xFFFFF800  }
0x179: {  	_ =	swait.ge [sflag:s22], $0x800  }
0x17a: {  	s26 =	smov.u32 s25;
	[sflag:s22] =	ssyncset.done $0x0  }
0x17b: {  	s24 =	sadd.s32 s24, s10;
	[sflag:s22] =	ssyncadd.s32 $0xFFFFF800  }
0x17c: {  	[tilespmem:s4], [sflag:$0x2] =	stream.linear.gather [hbm4b:s24+s4], $0x400, $0x38;
	[tilespmem:$0xF680] =	vst v63  }
0x17d: {  	_ =	swait.ge [sflag:s13], $0x400  }
0x17e: {  	[sflag:s13] =	ssyncset.done $0x0  }
0x17f: {  	[sflag:s13] =	ssyncadd.s32 $0xFFFFFC00  }
0x180: {  	[spmem:s3] =	stream.indirect.scatter.add.f32 [tilespmem:s15], [sflag:$0x1], $0x10, s4, s14, $0xb8;
	[tilespmem:$0xF680] =	vst v63  }
0x181: {  	_ = 	snop  }
0x182: {  	[spmem:s3] =	stream.indirect.scatter.add.f32 [tilespmem:s15], [sflag:$0x1], $0x10, s14, s14, $0xb8;
	[tilespmem:$0xF680] =	vst v63  }
0x183: {  	_ = 	snop  }
0x184: {  	[spmem:s3] =	stream.indirect.scatter.add.f32 [tilespmem:s15], [sflag:$0x1], $0x10, s16, s14, $0xb8;
	[tilespmem:$0xF680] =	vst v63  }
0x185: {  	_ = 	snop  }
0x186: {  	[spmem:s3] =	stream.indirect.scatter.add.f32 [tilespmem:s15], [sflag:$0x1], $0x10, s17, s14, $0xb8;
	[tilespmem:$0xF680] =	vst v63  }
0x187: {  	_ = 	snop  }
0x188: {  	[spmem:s3] =	stream.indirect.scatter.add.f32 [tilespmem:s15], [sflag:$0x1], $0x10, s18, s14, $0xb8;
	[tilespmem:$0xF680] =	vst v63  }
0x189: {  	_ = 	snop  }
0x18a: {  	[spmem:s3] =	stream.indirect.scatter.add.f32 [tilespmem:s15], [sflag:$0x1], $0x10, s19, s14, $0xb8;
	[tilespmem:$0xF680] =	vst v63  }
0x18b: {  	_ = 	snop  }
0x18c: {  	[spmem:s3] =	stream.indirect.scatter.add.f32 [tilespmem:s15], [sflag:$0x1], $0x10, s20, s14, $0xb8;
	[tilespmem:$0xF680] =	vst v63  }
0x18d: {  	_ = 	snop  }
0x18e: {  	[spmem:s3] =	stream.indirect.scatter.add.f32 [tilespmem:s15], [sflag:$0x1], $0x10, s21, s14, $0xb8;
	[tilespmem:$0xF680] =	vst v63  }
0x18f: {  	_ =	swait.ge [sflag:s22], $0x800  }
0x190: {  	[sflag:s22] =	ssyncset.done $0x0  }
0x191: {  	[sflag:s22] =	ssyncadd.s32 $0xFFFFF800  }
0x192: {  	_ =	swait.ge [sflag:s22], $0x800  }
0x193: {  	[sflag:s22] =	ssyncset.done $0x0  }
0x194: {  	[sflag:s22] =	ssyncadd.s32 $0xFFFFF800  }
0x195: {  	_ =	swait.ge [sflag:s22], $0x800  }
0x196: {  	[sflag:s22] =	ssyncset.done $0x0  }
0x197: {  	[sflag:s22] =	ssyncadd.s32 $0xFFFFF800  }
0x198: {  	_ =	swait.ge [sflag:s22], $0x800  }
0x199: {  	[sflag:s22] =	ssyncset.done $0x0  }
0x19a: {  	[sflag:s22] =	ssyncadd.s32 $0xFFFFF800  }
0x19b: {  	_ =	swait.ge [sflag:s22], $0x800  }
0x19c: {  	[sflag:s22] =	ssyncset.done $0x0  }
0x19d: {  	[sflag:s22] =	ssyncadd.s32 $0xFFFFF800  }
0x19e: {  	_ =	swait.ge [sflag:s22], $0x800  }
0x19f: {  	[sflag:s22] =	ssyncset.done $0x0  }
0x1a0: {  	[sflag:s22] =	ssyncadd.s32 $0xFFFFF800  }
0x1a1: {  	_ =	swait.ge [sflag:s22], $0x800  }
.Ltmp6:
0x1a2: {  	[sflag:s22] =	ssyncset.done $0x0;
	(pc) =	sbr.rel .LBB2_8-.Ltmp6, $4  }
0x1a3: {  	[sflag:s22] =	ssyncadd.s32 $0xFFFFF800  }
0x1a4: {  	_ =	swait.ge [sflag:s22], $0x800  }
0x1a5: {  	[sflag:s22] =	ssyncset.done $0x0  }
0x1a6: {  	s24 =	smov.u32 s1;
	[sflag:s22] =	ssyncadd.s32 $0xFFFFF800  }
.LBB2_9:
0x1a7: {  	_ =	sfence.sel $0x180000  }
0x1a8: {  	[bflag:$0x0] =	sbarrier.arrive $0xFFFF  }
0x1a9: {  	p0 =	sne.s32 s2, $0x0;
	_ =	strace $0x90000047  }
0x1aa: {  	s0 =	sadd.s32 @!p0 $0x100000, s0;
	[bflag:$0x2] =	sbarrier.arrive $0xFFFF  }
0x1ab: {  	[sflag:s0] =	ssyncadd.tile.s32 @!p0 $0x1;
	_ =	shalt  }
.Lfunc_end2:
_tile_overlayer_lowered:
.L_overlay_start_2:
0x1ac: {  	(tag) =	ssettag $0x2  }
0x1ad: {  	s0 =	rddreg [dreg:$0x0];
	s2 =	stileid.u32  }
0x1ae: {  	s1 =	rddreg [dreg:$0x1];
	p0 =	sne.s32 s2, $0x0  }
0x1af: {  	s3 =	rddreg [dreg:$0x2];
	[bflag:$0x3] =	sbarrier.arrive $0xFFFF;
	s2 =	simm.s32 @!p0 $0x1C02  }
0x1b0: {  	[timem:s3], [sflag:s2] =	dma.local @!p0 [hbm:s0], s1  }
0x1b1: {  	s0 =	simm.s32 @!p0 $0x2  }
0x1b2: {  	_ =	swait.ge @!p0 [sflag:s0], s1  }
0x1b3: {  	s1 =	ssub.s32 @!p0 $0x0, s1;
	[sflag:s0] =	ssyncset.done @!p0 $0x0  }
0x1b4: {  	[sflag:s0] =	ssyncadd.s32 @!p0 s1  }
0x1b5: {  	[bflag:$0x3] =	sbarrier.arrive $0xFFFF  }
0x1b6: {  	_ =	shalt  }

</sc_bundles>
